<compile_context>
chip_gen: v7x
topology: tpu7x:2x2x1
jax: 0.10.2.dev20260603
libtpu: 0.0.44.dev20260713+nightly
codegen_flags: <defaults>
</compile_context>

<pallas_src>
import functools

import jax
import jax.numpy as jnp
from jax import lax
from jax.experimental import pallas as pl
from jax.experimental.pallas import tpu as pltpu
from jax.experimental.pallas import tpu_sc as plsc


def _sc_counts(Bh, off, B, L, V, NW):
    tb = Bh // NW
    ng = tb // 16
    mesh = plsc.VectorSubcoreMesh(core_axis_name="c", subcore_axis_name="s")

    @functools.partial(
        pl.kernel,
        mesh=mesh,
        out_type=jax.ShapeDtypeStruct((Bh, V), jnp.float32),
        scratch_types=[
            pltpu.VMEM((L, tb), jnp.int32),
            pltpu.VMEM((tb, V), jnp.float32),
        ],
        compiler_params=pltpu.CompilerParams(needs_layout_passes=False),
    )
    def counts_kernel(idx_hbm, cnt_hbm, idx_v, cnt_v):
        nc = lax.axis_size("c")
        wid = lax.axis_index("s") * nc + lax.axis_index("c")
        base = wid * tb
        pltpu.sync_copy(idx_hbm.at[:, pl.ds(off + base, tb)], idx_v)

        lane = lax.iota(jnp.int32, 16)
        ones = jnp.ones((16,), jnp.float32)
        zeros = jnp.zeros((16,), jnp.float32)

        @plsc.parallel_loop(0, ng, unroll=2)
        def group(g):
            text = g * 16 + lane
            for r in range(16):
                cnt_v[g * 16 + r, :] = zeros
            for l in range(L):
                vals = idx_v[l, pl.ds(g * 16, 16)]
                plsc.addupdate_scatter(cnt_v, [text, vals], ones)

        pltpu.sync_copy(cnt_v, cnt_hbm.at[pl.ds(base, tb)])

    return counts_kernel


def _tc_project(cnt_ref, emb_ref, w_ref, b_ref, out_ref, p_ref, *, inv_l):
    @pl.when(pl.program_id(0) == 0)
    def _():
        p_ref[...] = jnp.dot(
            emb_ref[...], w_ref[...], preferred_element_type=jnp.float32
        ) * inv_l

    o = jnp.dot(cnt_ref[...], p_ref[...], preferred_element_type=jnp.float32)
    out_ref[...] = jnp.maximum(o + b_ref[...], 0.0)


def _tc_project2(prev_ref, cnt_ref, emb_ref, w_ref, b_ref, out_ref, p_ref, *,
                 inv_l):
    del prev_ref
    _tc_project(cnt_ref, emb_ref, w_ref, b_ref, out_ref, p_ref, inv_l=inv_l)


def _tc_hist_project(idx_ref, emb_ref, w_ref, b_ref, out_ref, p_ref, *,
                     inv_l, V):
    @pl.when(pl.program_id(0) == 0)
    def _():
        p_ref[...] = jnp.dot(
            emb_ref[...], w_ref[...], preferred_element_type=jnp.float32
        ) * inv_l

    idxb = idx_ref[...]
    cnt_t = jnp.concatenate(
        [jnp.sum((idxb == v).astype(jnp.float32), axis=0, keepdims=True)
         for v in range(V)],
        axis=0,
    )
    o = lax.dot_general(
        cnt_t, p_ref[...], (((0,), (0,)), ((), ())),
        preferred_element_type=jnp.float32,
    )
    out_ref[...] = jnp.maximum(o + b_ref[...], 0.0)


def kernel(indices, emb, W, b):
    B, L = indices.shape
    V, D = emb.shape
    P = W.shape[1]
    NW = 32
    if indices.dtype != jnp.int32:
        indices = indices.astype(jnp.int32)
    idx_t = indices.T
    b2d = b.reshape(1, P)

    BLK = 2048
    n_sc = 2
    n_tc = B // BLK - n_sc
    Bsc = n_sc * BLK
    counts1 = _sc_counts(Bsc, B - Bsc, B, L, V, NW)(idx_t)

    common = dict(
        out_shape=jax.ShapeDtypeStruct((B, P), jnp.float32),
        scratch_shapes=[pltpu.VMEM((V, P), jnp.float32)],
    )
    small_specs = [
        pl.BlockSpec((V, D), lambda i: (0, 0)),
        pl.BlockSpec((D, P), lambda i: (0, 0)),
        pl.BlockSpec((1, P), lambda i: (0, 0)),
    ]
    BLK0 = 4096
    out0 = pl.pallas_call(
        functools.partial(_tc_hist_project, inv_l=1.0 / L, V=V),
        grid=(n_tc * BLK // BLK0,),
        in_specs=[pl.BlockSpec((L, BLK0), lambda i: (0, i))] + small_specs,
        out_specs=pl.BlockSpec((BLK0, P), lambda i: (i, 0)),
        **common,
    )(idx_t, emb, W, b2d)
    out = pl.pallas_call(
        functools.partial(_tc_project2, inv_l=1.0 / L),
        grid=(n_sc,),
        in_specs=[pl.BlockSpec(memory_space=pl.ANY),
                  pl.BlockSpec((BLK, V), lambda i: (i, 0))] + small_specs,
        out_specs=pl.BlockSpec((BLK, P), lambda i: (i + n_tc, 0)),
        input_output_aliases={0: 0},
        **common,
    )(out0, counts1, emb, W, b2d)
    return out

# --- scband reference (transcript-rebuilt; emitter-appended) ---
"""Pipeline reference for scband-emoji-feature-extractor-38328288150156 (READ-ONLY COPY).

The authoritative reference and input builder live on the scoring server;
editing this copy changes nothing except your own understanding.
"""

import jax, jax.numpy as jnp
import numpy as np

VOCAB_PLUS_UNK = 16  # 15 default emojis + 1 UNK row
EMBED_DIM = 64
PROJ_DIM = 256
BATCH = 16384
HIST = 20

def setup_inputs(seed: int = 0) -> dict:
    key = jax.random.key(seed)
    k_idx, k_emb, k_w, k_b = jax.random.split(key, 4)
    # Pre-tokenized emoji indices per text (the torch module regex-tokenizes strings
    # into these indices; values < 16 index the 15-emoji vocab + UNK row).
    indices = jax.random.randint(k_idx, (BATCH, HIST), 0, VOCAB_PLUS_UNK, dtype=jnp.int64 if jax.config.jax_enable_x64 else jnp.int32)
    emb = jax.random.normal(k_emb, (VOCAB_PLUS_UNK, EMBED_DIM), dtype=jnp.float32)
    W = jax.random.normal(k_w, (EMBED_DIM, PROJ_DIM), dtype=jnp.float32) * (1.0 / np.sqrt(EMBED_DIM))
    b = jax.random.normal(k_b, (PROJ_DIM,), dtype=jnp.float32) * 0.01
    return {"indices": indices, "emb": emb, "W": W, "b": b}

def reference(indices, emb, W, b):
    # embedding gather: [B, L, D]
    gathered = jnp.take(emb, indices, axis=0)
    # per-text mean over emoji occurrences (L is fixed here, matching non-empty texts)
    E = jnp.mean(gathered, axis=1)
    # torch.nan_to_num(E, nan=0, posinf=0, neginf=0)
    E = jnp.where(jnp.isnan(E), 0.0, E)
    E = jnp.where(jnp.isposinf(E), 0.0, E)
    E = jnp.where(jnp.isneginf(E), 0.0, E)
    # proj: Linear + ReLU
    out = jnp.maximum(E @ W + b, 0.0)
    return out

if __name__ == "__main__":
    import jax
    _d = setup_inputs()
    print(jax.jit(kernel)(*tuple(_d.values())))

</pallas_src>

<mosaic_0001>
#map = affine_map<(d0, d1) -> (0, 0)>
module attributes {stable_mosaic.version = 14 : i64} {
  func.func @counts_kernel(%arg0: i32, %arg1: i32, %arg2: memref<20x16384xi32, #tpu.memory_space<hbm>>, %arg3: memref<4096x16xf32, #tpu.memory_space<hbm>>, %arg4: memref<20x128xi32, #tpu.memory_space<vmem>>, %arg5: memref<128x16xf32, #tpu.memory_space<vmem>>) attributes {dimension_semantics = [#tpu.dimension_semantics<core_parallel>, #tpu.dimension_semantics<subcore_parallel>], iteration_bounds = array<i64: 2, 16>, scalar_prefetch = 0 : i64, scratch_operands = 2 : i64, tpu.core_type = #tpu.core_type<sc_vector_subcore>, window_params = [{transform_indices = #map}, {transform_indices = #map}]} {
    %mul3A = arith.constant 2 : i32
    %mul3A_0 = arith.muli %arg1, %mul3A : i32
    %add3A = arith.addi %mul3A_0, %arg0 : i32
    %mul3A_1 = arith.constant 128 : i32
    %mul3A_2 = arith.muli %add3A, %mul3A_1 : i32
    %add3A_3 = arith.constant 12288 : i32
    %add3A_4 = arith.addi %add3A_3, %mul3A_2 : i32
    "tpu.region"() ({
      %run_scoped3A = tpu.sem_alloc : memref<!tpu.dma_semaphore, #tpu.memory_space<semaphore_mem>>
      %dma_start3A = arith.constant 0 : i32
      %dma_start3A_10 = tpu.memref_slice %arg2[%dma_start3A, %add3A_4] : memref<20x16384xi32, #tpu.memory_space<hbm>> -> memref<20x128xi32, #tpu.memory_space<hbm>>
      %dma_start3A_11 = arith.constant 0 : i32
      %dma_start3A_12 = tpu.memref_slice %arg2[%dma_start3A_11, %add3A_4] : memref<20x16384xi32, #tpu.memory_space<hbm>> -> memref<20x128xi32, #tpu.memory_space<hbm>>
      tpu.enqueue_dma source(%dma_start3A_12 : memref<20x128xi32, #tpu.memory_space<hbm>>) target(%arg4 : memref<20x128xi32, #tpu.memory_space<vmem>>) target_semaphore(%run_scoped3A : memref<!tpu.dma_semaphore, #tpu.memory_space<semaphore_mem>>)
      %dma_wait3A = arith.constant 0 : i32
      %dma_wait3A_13 = tpu.memref_slice %arg2[%dma_wait3A, %add3A_4] : memref<20x16384xi32, #tpu.memory_space<hbm>> -> memref<20x128xi32, #tpu.memory_space<hbm>>
      %dma_wait3A_14 = arith.constant 0 : i32
      %dma_wait3A_15 = tpu.memref_slice %arg2[%dma_wait3A_14, %add3A_4] : memref<20x16384xi32, #tpu.memory_space<hbm>> -> memref<20x128xi32, #tpu.memory_space<hbm>>
      tpu.wait_dma2 semaphore(%run_scoped3A : memref<!tpu.dma_semaphore, #tpu.memory_space<semaphore_mem>>) src(%dma_wait3A_15 : memref<20x128xi32, #tpu.memory_space<hbm>>) dst(%arg4 : memref<20x128xi32, #tpu.memory_space<vmem>>)
      tpu.yield
    }) : () -> ()
    %iota3A = tpu.iota {dimensions = array<i32: 0>} : vector<16xi32>
    %broadcast_in_dim3A = arith.constant 1.000000e+00 : f32
    %broadcast_in_dim3A_5 = vector.broadcast %broadcast_in_dim3A : f32 to vector<16xf32>
    %broadcast_in_dim3A_6 = arith.constant 0.000000e+00 : f32
    %broadcast_in_dim3A_7 = vector.broadcast %broadcast_in_dim3A_6 : f32 to vector<16xf32>
    %parallel_loop3A = arith.constant 0 : i32
    %parallel_loop3A_8 = arith.constant 8 : i32
    %parallel_loop3A_9 = arith.constant 1 : i32
    scf.for %parallel_loop3A_10 = %parallel_loop3A to %parallel_loop3A_8 step %parallel_loop3A_9  : i32 {
      %parallel_loop3A_11 = arith.constant 16 : i32
      %parallel_loop3A_12 = arith.muli %parallel_loop3A_10, %parallel_loop3A_11 : i32
      %parallel_loop3A_13 = vector.broadcast %parallel_loop3A_12 : i32 to vector<16xi32>
      %parallel_loop3A_14 = arith.addi %parallel_loop3A_13, %iota3A : vector<16xi32>
      %parallel_loop3A_15 = arith.constant 16 : i32
      %parallel_loop3A_16 = arith.muli %parallel_loop3A_10, %parallel_loop3A_15 : i32
      %parallel_loop3A_17 = arith.constant 0 : i32
      %parallel_loop3A_18 = arith.addi %parallel_loop3A_16, %parallel_loop3A_17 : i32
      %parallel_loop3A_19 = arith.index_cast %parallel_loop3A_18 : i32 to index
      %parallel_loop3A_20 = arith.constant 0 : index
      %parallel_loop3A_21 = tpu.vector_load %arg5[%parallel_loop3A_19, %parallel_loop3A_20] {strides = array<i32>} : memref<128x16xf32, #tpu.memory_space<vmem>>, vector<16xf32>,
      tpu.vector_store %arg5[%parallel_loop3A_19, %parallel_loop3A_20], %broadcast_in_dim3A_7 {strides = array<i32>} : memref<128x16xf32, #tpu.memory_space<vmem>>, vector<16xf32>,
      %parallel_loop3A_22 = arith.constant 16 : i32
      %parallel_loop3A_23 = arith.muli %parallel_loop3A_10, %parallel_loop3A_22 : i32
      %parallel_loop3A_24 = arith.constant 1 : i32
      %parallel_loop3A_25 = arith.addi %parallel_loop3A_23, %parallel_loop3A_24 : i32
      %parallel_loop3A_26 = arith.index_cast %parallel_loop3A_25 : i32 to index
      %parallel_loop3A_27 = arith.constant 0 : index
      %parallel_loop3A_28 = tpu.vector_load %arg5[%parallel_loop3A_26, %parallel_loop3A_27] {strides = array<i32>} : memref<128x16xf32, #tpu.memory_space<vmem>>, vector<16xf32>,
      tpu.vector_store %arg5[%parallel_loop3A_26, %parallel_loop3A_27], %broadcast_in_dim3A_7 {strides = array<i32>} : memref<128x16xf32, #tpu.memory_space<vmem>>, vector<16xf32>,
      %parallel_loop3A_29 = arith.constant 16 : i32
      %parallel_loop3A_30 = arith.muli %parallel_loop3A_10, %parallel_loop3A_29 : i32
      %parallel_loop3A_31 = arith.constant 2 : i32
      %parallel_loop3A_32 = arith.addi %parallel_loop3A_30, %parallel_loop3A_31 : i32
      %parallel_loop3A_33 = arith.index_cast %parallel_loop3A_32 : i32 to index
      %parallel_loop3A_34 = arith.constant 0 : index
      %parallel_loop3A_35 = tpu.vector_load %arg5[%parallel_loop3A_33, %parallel_loop3A_34] {strides = array<i32>} : memref<128x16xf32, #tpu.memory_space<vmem>>, vector<16xf32>,
      tpu.vector_store %arg5[%parallel_loop3A_33, %parallel_loop3A_34], %broadcast_in_dim3A_7 {strides = array<i32>} : memref<128x16xf32, #tpu.memory_space<vmem>>, vector<16xf32>,
      %parallel_loop3A_36 = arith.constant 16 : i32
      %parallel_loop3A_37 = arith.muli %parallel_loop3A_10, %parallel_loop3A_36 : i32
      %parallel_loop3A_38 = arith.constant 3 : i32
      %parallel_loop3A_39 = arith.addi %parallel_loop3A_37, %parallel_loop3A_38 : i32
      %parallel_loop3A_40 = arith.index_cast %parallel_loop3A_39 : i32 to index
      %parallel_loop3A_41 = arith.constant 0 : index
      %parallel_loop3A_42 = tpu.vector_load %arg5[%parallel_loop3A_40, %parallel_loop3A_41] {strides = array<i32>} : memref<128x16xf32, #tpu.memory_space<vmem>>, vector<16xf32>,
      tpu.vector_store %arg5[%parallel_loop3A_40, %parallel_loop3A_41], %broadcast_in_dim3A_7 {strides = array<i32>} : memref<128x16xf32, #tpu.memory_space<vmem>>, vector<16xf32>,
      %parallel_loop3A_43 = arith.constant 16 : i32
      %parallel_loop3A_44 = arith.muli %parallel_loop3A_10, %parallel_loop3A_43 : i32
      %parallel_loop3A_45 = arith.constant 4 : i32
      %parallel_loop3A_46 = arith.addi %parallel_loop3A_44, %parallel_loop3A_45 : i32
      %parallel_loop3A_47 = arith.index_cast %parallel_loop3A_46 : i32 to index
      %parallel_loop3A_48 = arith.constant 0 : index
      %parallel_loop3A_49 = tpu.vector_load %arg5[%parallel_loop3A_47, %parallel_loop3A_48] {strides = array<i32>} : memref<128x16xf32, #tpu.memory_space<vmem>>, vector<16xf32>,
      tpu.vector_store %arg5[%parallel_loop3A_47, %parallel_loop3A_48], %broadcast_in_dim3A_7 {strides = array<i32>} : memref<128x16xf32, #tpu.memory_space<vmem>>, vector<16xf32>,
      %parallel_loop3A_50 = arith.constant 16 : i32
      %parallel_loop3A_51 = arith.muli %parallel_loop3A_10, %parallel_loop3A_50 : i32
      %parallel_loop3A_52 = arith.constant 5 : i32
      %parallel_loop3A_53 = arith.addi %parallel_loop3A_51, %parallel_loop3A_52 : i32
      %parallel_loop3A_54 = arith.index_cast %parallel_loop3A_53 : i32 to index
      %parallel_loop3A_55 = arith.constant 0 : index
      %parallel_loop3A_56 = tpu.vector_load %arg5[%parallel_loop3A_54, %parallel_loop3A_55] {strides = array<i32>} : memref<128x16xf32, #tpu.memory_space<vmem>>, vector<16xf32>,
      tpu.vector_store %arg5[%parallel_loop3A_54, %parallel_loop3A_55], %broadcast_in_dim3A_7 {strides = array<i32>} : memref<128x16xf32, #tpu.memory_space<vmem>>, vector<16xf32>,
      %parallel_loop3A_57 = arith.constant 16 : i32
      %parallel_loop3A_58 = arith.muli %parallel_loop3A_10, %parallel_loop3A_57 : i32
      %parallel_loop3A_59 = arith.constant 6 : i32
      %parallel_loop3A_60 = arith.addi %parallel_loop3A_58, %parallel_loop3A_59 : i32
      %parallel_loop3A_61 = arith.index_cast %parallel_loop3A_60 : i32 to index
      %parallel_loop3A_62 = arith.constant 0 : index
      %parallel_loop3A_63 = tpu.vector_load %arg5[%parallel_loop3A_61, %parallel_loop3A_62] {strides = array<i32>} : memref<128x16xf32, #tpu.memory_space<vmem>>, vector<16xf32>,
      tpu.vector_store %arg5[%parallel_loop3A_61, %parallel_loop3A_62], %broadcast_in_dim3A_7 {strides = array<i32>} : memref<128x16xf32, #tpu.memory_space<vmem>>, vector<16xf32>,
      %parallel_loop3A_64 = arith.constant 16 : i32
      %parallel_loop3A_65 = arith.muli %parallel_loop3A_10, %parallel_loop3A_64 : i32
      %parallel_loop3A_66 = arith.constant 7 : i32
      %parallel_loop3A_67 = arith.addi %parallel_loop3A_65, %parallel_loop3A_66 : i32
      %parallel_loop3A_68 = arith.index_cast %parallel_loop3A_67 : i32 to index
      %parallel_loop3A_69 = arith.constant 0 : index
      %parallel_loop3A_70 = tpu.vector_load %arg5[%parallel_loop3A_68, %parallel_loop3A_69] {strides = array<i32>} : memref<128x16xf32, #tpu.memory_space<vmem>>, vector<16xf32>,
      tpu.vector_store %arg5[%parallel_loop3A_68, %parallel_loop3A_69], %broadcast_in_dim3A_7 {strides = array<i32>} : memref<128x16xf32, #tpu.memory_space<vmem>>, vector<16xf32>,
      %parallel_loop3A_71 = arith.constant 16 : i32
      %parallel_loop3A_72 = arith.muli %parallel_loop3A_10, %parallel_loop3A_71 : i32
      %parallel_loop3A_73 = arith.constant 8 : i32
      %parallel_loop3A_74 = arith.addi %parallel_loop3A_72, %parallel_loop3A_73 : i32
      %parallel_loop3A_75 = arith.index_cast %parallel_loop3A_74 : i32 to index
      %parallel_loop3A_76 = arith.constant 0 : index
      %parallel_loop3A_77 = tpu.vector_load %arg5[%parallel_loop3A_75, %parallel_loop3A_76] {strides = array<i32>} : memref<128x16xf32, #tpu.memory_space<vmem>>, vector<16xf32>,
      tpu.vector_store %arg5[%parallel_loop3A_75, %parallel_loop3A_76], %broadcast_in_dim3A_7 {strides = array<i32>} : memref<128x16xf32, #tpu.memory_space<vmem>>, vector<16xf32>,
      %parallel_loop3A_78 = arith.constant 16 : i32
      %parallel_loop3A_79 = arith.muli %parallel_loop3A_10, %parallel_loop3A_78 : i32
      %parallel_loop3A_80 = arith.constant 9 : i32
      %parallel_loop3A_81 = arith.addi %parallel_loop3A_79, %parallel_loop3A_80 : i32
      %parallel_loop3A_82 = arith.index_cast %parallel_loop3A_81 : i32 to index
      %parallel_loop3A_83 = arith.constant 0 : index
      %parallel_loop3A_84 = tpu.vector_load %arg5[%parallel_loop3A_82, %parallel_loop3A_83] {strides = array<i32>} : memref<128x16xf32, #tpu.memory_space<vmem>>, vector<16xf32>,
      tpu.vector_store %arg5[%parallel_loop3A_82, %parallel_loop3A_83], %broadcast_in_dim3A_7 {strides = array<i32>} : memref<128x16xf32, #tpu.memory_space<vmem>>, vector<16xf32>,
      %parallel_loop3A_85 = arith.constant 16 : i32
      %parallel_loop3A_86 = arith.muli %parallel_loop3A_10, %parallel_loop3A_85 : i32
      %parallel_loop3A_87 = arith.constant 10 : i32
      %parallel_loop3A_88 = arith.addi %parallel_loop3A_86, %parallel_loop3A_87 : i32
      %parallel_loop3A_89 = arith.index_cast %parallel_loop3A_88 : i32 to index
      %parallel_loop3A_90 = arith.constant 0 : index
      %parallel_loop3A_91 = tpu.vector_load %arg5[%parallel_loop3A_89, %parallel_loop3A_90] {strides = array<i32>} : memref<128x16xf32, #tpu.memory_space<vmem>>, vector<16xf32>,
      tpu.vector_store %arg5[%parallel_loop3A_89, %parallel_loop3A_90], %broadcast_in_dim3A_7 {strides = array<i32>} : memref<128x16xf32, #tpu.memory_space<vmem>>, vector<16xf32>,
      %parallel_loop3A_92 = arith.constant 16 : i32
      %parallel_loop3A_93 = arith.muli %parallel_loop3A_10, %parallel_loop3A_92 : i32
      %parallel_loop3A_94 = arith.constant 11 : i32
      %parallel_loop3A_95 = arith.addi %parallel_loop3A_93, %parallel_loop3A_94 : i32
      %parallel_loop3A_96 = arith.index_cast %parallel_loop3A_95 : i32 to index
      %parallel_loop3A_97 = arith.constant 0 : index
      %parallel_loop3A_98 = tpu.vector_load %arg5[%parallel_loop3A_96, %parallel_loop3A_97] {strides = array<i32>} : memref<128x16xf32, #tpu.memory_space<vmem>>, vector<16xf32>,
      tpu.vector_store %arg5[%parallel_loop3A_96, %parallel_loop3A_97], %broadcast_in_dim3A_7 {strides = array<i32>} : memref<128x16xf32, #tpu.memory_space<vmem>>, vector<16xf32>,
      %parallel_loop3A_99 = arith.constant 16 : i32
      %parallel_loop3A_100 = arith.muli %parallel_loop3A_10, %parallel_loop3A_99 : i32
      %parallel_loop3A_101 = arith.constant 12 : i32
      %parallel_loop3A_102 = arith.addi %parallel_loop3A_100, %parallel_loop3A_101 : i32
      %parallel_loop3A_103 = arith.index_cast %parallel_loop3A_102 : i32 to index
      %parallel_loop3A_104 = arith.constant 0 : index
      %parallel_loop3A_105 = tpu.vector_load %arg5[%parallel_loop3A_103, %parallel_loop3A_104] {strides = array<i32>} : memref<128x16xf32, #tpu.memory_space<vmem>>, vector<16xf32>,
      tpu.vector_store %arg5[%parallel_loop3A_103, %parallel_loop3A_104], %broadcast_in_dim3A_7 {strides = array<i32>} : memref<128x16xf32, #tpu.memory_space<vmem>>, vector<16xf32>,
      %parallel_loop3A_106 = arith.constant 16 : i32
      %parallel_loop3A_107 = arith.muli %parallel_loop3A_10, %parallel_loop3A_106 : i32
      %parallel_loop3A_108 = arith.constant 13 : i32
      %parallel_loop3A_109 = arith.addi %parallel_loop3A_107, %parallel_loop3A_108 : i32
      %parallel_loop3A_110 = arith.index_cast %parallel_loop3A_109 : i32 to index
      %parallel_loop3A_111 = arith.constant 0 : index
      %parallel_loop3A_112 = tpu.vector_load %arg5[%parallel_loop3A_110, %parallel_loop3A_111] {strides = array<i32>} : memref<128x16xf32, #tpu.memory_space<vmem>>, vector<16xf32>,
      tpu.vector_store %arg5[%parallel_loop3A_110, %parallel_loop3A_111], %broadcast_in_dim3A_7 {strides = array<i32>} : memref<128x16xf32, #tpu.memory_space<vmem>>, vector<16xf32>,
      %parallel_loop3A_113 = arith.constant 16 : i32
      %parallel_loop3A_114 = arith.muli %parallel_loop3A_10, %parallel_loop3A_113 : i32
      %parallel_loop3A_115 = arith.constant 14 : i32
      %parallel_loop3A_116 = arith.addi %parallel_loop3A_114, %parallel_loop3A_115 : i32
      %parallel_loop3A_117 = arith.index_cast %parallel_loop3A_116 : i32 to index
      %parallel_loop3A_118 = arith.constant 0 : index
      %parallel_loop3A_119 = tpu.vector_load %arg5[%parallel_loop3A_117, %parallel_loop3A_118] {strides = array<i32>} : memref<128x16xf32, #tpu.memory_space<vmem>>, vector<16xf32>,
      tpu.vector_store %arg5[%parallel_loop3A_117, %parallel_loop3A_118], %broadcast_in_dim3A_7 {strides = array<i32>} : memref<128x16xf32, #tpu.memory_space<vmem>>, vector<16xf32>,
      %parallel_loop3A_120 = arith.constant 16 : i32
      %parallel_loop3A_121 = arith.muli %parallel_loop3A_10, %parallel_loop3A_120 : i32
      %parallel_loop3A_122 = arith.constant 15 : i32
      %parallel_loop3A_123 = arith.addi %parallel_loop3A_121, %parallel_loop3A_122 : i32
      %parallel_loop3A_124 = arith.index_cast %parallel_loop3A_123 : i32 to index
      %parallel_loop3A_125 = arith.constant 0 : index
      %parallel_loop3A_126 = tpu.vector_load %arg5[%parallel_loop3A_124, %parallel_loop3A_125] {strides = array<i32>} : memref<128x16xf32, #tpu.memory_space<vmem>>, vector<16xf32>,
      tpu.vector_store %arg5[%parallel_loop3A_124, %parallel_loop3A_125], %broadcast_in_dim3A_7 {strides = array<i32>} : memref<128x16xf32, #tpu.memory_space<vmem>>, vector<16xf32>,
      %parallel_loop3A_127 = arith.constant 16 : i32
      %parallel_loop3A_128 = arith.muli %parallel_loop3A_10, %parallel_loop3A_127 : i32
      %parallel_loop3A_129 = arith.constant 0 : i32
      %parallel_loop3A_130 = arith.index_cast %parallel_loop3A_129 : i32 to index
      %parallel_loop3A_131 = arith.index_cast %parallel_loop3A_128 : i32 to index
      %parallel_loop3A_132 = tpu.vector_load %arg4[%parallel_loop3A_130, %parallel_loop3A_131] {strides = array<i32>} : memref<20x128xi32, #tpu.memory_space<vmem>>, vector<16xi32>,
      tpu.vector_store_idx %arg5[%parallel_loop3A_14, %parallel_loop3A_132], %broadcast_in_dim3A_5 {add = true} : memref<128x16xf32, #tpu.memory_space<vmem>>[vector<16xi32>, vector<16xi32>], vector<16xf32>,
      %parallel_loop3A_133 = arith.constant 16 : i32
      %parallel_loop3A_134 = arith.muli %parallel_loop3A_10, %parallel_loop3A_133 : i32
      %parallel_loop3A_135 = arith.constant 1 : i32
      %parallel_loop3A_136 = arith.index_cast %parallel_loop3A_135 : i32 to index
      %parallel_loop3A_137 = arith.index_cast %parallel_loop3A_134 : i32 to index
      %parallel_loop3A_138 = tpu.vector_load %arg4[%parallel_loop3A_136, %parallel_loop3A_137] {strides = array<i32>} : memref<20x128xi32, #tpu.memory_space<vmem>>, vector<16xi32>,
      tpu.vector_store_idx %arg5[%parallel_loop3A_14, %parallel_loop3A_138], %broadcast_in_dim3A_5 {add = true} : memref<128x16xf32, #tpu.memory_space<vmem>>[vector<16xi32>, vector<16xi32>], vector<16xf32>,
      %parallel_loop3A_139 = arith.constant 16 : i32
      %parallel_loop3A_140 = arith.muli %parallel_loop3A_10, %parallel_loop3A_139 : i32
      %parallel_loop3A_141 = arith.constant 2 : i32
      %parallel_loop3A_142 = arith.index_cast %parallel_loop3A_141 : i32 to index
      %parallel_loop3A_143 = arith.index_cast %parallel_loop3A_140 : i32 to index
      %parallel_loop3A_144 = tpu.vector_load %arg4[%parallel_loop3A_142, %parallel_loop3A_143] {strides = array<i32>} : memref<20x128xi32, #tpu.memory_space<vmem>>, vector<16xi32>,
      tpu.vector_store_idx %arg5[%parallel_loop3A_14, %parallel_loop3A_144], %broadcast_in_dim3A_5 {add = true} : memref<128x16xf32, #tpu.memory_space<vmem>>[vector<16xi32>, vector<16xi32>], vector<16xf32>,
      %parallel_loop3A_145 = arith.constant 16 : i32
      %parallel_loop3A_146 = arith.muli %parallel_loop3A_10, %parallel_loop3A_145 : i32
      %parallel_loop3A_147 = arith.constant 3 : i32
      %parallel_loop3A_148 = arith.index_cast %parallel_loop3A_147 : i32 to index
      %parallel_loop3A_149 = arith.index_cast %parallel_loop3A_146 : i32 to index
      %parallel_loop3A_150 = tpu.vector_load %arg4[%parallel_loop3A_148, %parallel_loop3A_149] {strides = array<i32>} : memref<20x128xi32, #tpu.memory_space<vmem>>, vector<16xi32>,
      tpu.vector_store_idx %arg5[%parallel_loop3A_14, %parallel_loop3A_150], %broadcast_in_dim3A_5 {add = true} : memref<128x16xf32, #tpu.memory_space<vmem>>[vector<16xi32>, vector<16xi32>], vector<16xf32>,
      %parallel_loop3A_151 = arith.constant 16 : i32
      %parallel_loop3A_152 = arith.muli %parallel_loop3A_10, %parallel_loop3A_151 : i32
      %parallel_loop3A_153 = arith.constant 4 : i32
      %parallel_loop3A_154 = arith.index_cast %parallel_loop3A_153 : i32 to index
      %parallel_loop3A_155 = arith.index_cast %parallel_loop3A_152 : i32 to index
      %parallel_loop3A_156 = tpu.vector_load %arg4[%parallel_loop3A_154, %parallel_loop3A_155] {strides = array<i32>} : memref<20x128xi32, #tpu.memory_space<vmem>>, vector<16xi32>,
      tpu.vector_store_idx %arg5[%parallel_loop3A_14, %parallel_loop3A_156], %broadcast_in_dim3A_5 {add = true} : memref<128x16xf32, #tpu.memory_space<vmem>>[vector<16xi32>, vector<16xi32>], vector<16xf32>,
      %parallel_loop3A_157 = arith.constant 16 : i32
      %parallel_loop3A_158 = arith.muli %parallel_loop3A_10, %parallel_loop3A_157 : i32
      %parallel_loop3A_159 = arith.constant 5 : i32
      %parallel_loop3A_160 = arith.index_cast %parallel_loop3A_159 : i32 to index
      %parallel_loop3A_161 = arith.index_cast %parallel_loop3A_158 : i32 to index
      %parallel_loop3A_162 = tpu.vector_load %arg4[%parallel_loop3A_160, %parallel_loop3A_161] {strides = array<i32>} : memref<20x128xi32, #tpu.memory_space<vmem>>, vector<16xi32>,
      tpu.vector_store_idx %arg5[%parallel_loop3A_14, %parallel_loop3A_162], %broadcast_in_dim3A_5 {add = true} : memref<128x16xf32, #tpu.memory_space<vmem>>[vector<16xi32>, vector<16xi32>], vector<16xf32>,
      %parallel_loop3A_163 = arith.constant 16 : i32
      %parallel_loop3A_164 = arith.muli %parallel_loop3A_10, %parallel_loop3A_163 : i32
      %parallel_loop3A_165 = arith.constant 6 : i32
      %parallel_loop3A_166 = arith.index_cast %parallel_loop3A_165 : i32 to index
      %parallel_loop3A_167 = arith.index_cast %parallel_loop3A_164 : i32 to index
      %parallel_loop3A_168 = tpu.vector_load %arg4[%parallel_loop3A_166, %parallel_loop3A_167] {strides = array<i32>} : memref<20x128xi32, #tpu.memory_space<vmem>>, vector<16xi32>,
      tpu.vector_store_idx %arg5[%parallel_loop3A_14, %parallel_loop3A_168], %broadcast_in_dim3A_5 {add = true} : memref<128x16xf32, #tpu.memory_space<vmem>>[vector<16xi32>, vector<16xi32>], vector<16xf32>,
      %parallel_loop3A_169 = arith.constant 16 : i32
      %parallel_loop3A_170 = arith.muli %parallel_loop3A_10, %parallel_loop3A_169 : i32
      %parallel_loop3A_171 = arith.constant 7 : i32
      %parallel_loop3A_172 = arith.index_cast %parallel_loop3A_171 : i32 to index
      %parallel_loop3A_173 = arith.index_cast %parallel_loop3A_170 : i32 to index
      %parallel_loop3A_174 = tpu.vector_load %arg4[%parallel_loop3A_172, %parallel_loop3A_173] {strides = array<i32>} : memref<20x128xi32, #tpu.memory_space<vmem>>, vector<16xi32>,
      tpu.vector_store_idx %arg5[%parallel_loop3A_14, %parallel_loop3A_174], %broadcast_in_dim3A_5 {add = true} : memref<128x16xf32, #tpu.memory_space<vmem>>[vector<16xi32>, vector<16xi32>], vector<16xf32>,
      %parallel_loop3A_175 = arith.constant 16 : i32
      %parallel_loop3A_176 = arith.muli %parallel_loop3A_10, %parallel_loop3A_175 : i32
      %parallel_loop3A_177 = arith.constant 8 : i32
      %parallel_loop3A_178 = arith.index_cast %parallel_loop3A_177 : i32 to index
      %parallel_loop3A_179 = arith.index_cast %parallel_loop3A_176 : i32 to index
      %parallel_loop3A_180 = tpu.vector_load %arg4[%parallel_loop3A_178, %parallel_loop3A_179] {strides = array<i32>} : memref<20x128xi32, #tpu.memory_space<vmem>>, vector<16xi32>,
      tpu.vector_store_idx %arg5[%parallel_loop3A_14, %parallel_loop3A_180], %broadcast_in_dim3A_5 {add = true} : memref<128x16xf32, #tpu.memory_space<vmem>>[vector<16xi32>, vector<16xi32>], vector<16xf32>,
      %parallel_loop3A_181 = arith.constant 16 : i32
      %parallel_loop3A_182 = arith.muli %parallel_loop3A_10, %parallel_loop3A_181 : i32
      %parallel_loop3A_183 = arith.constant 9 : i32
      %parallel_loop3A_184 = arith.index_cast %parallel_loop3A_183 : i32 to index
      %parallel_loop3A_185 = arith.index_cast %parallel_loop3A_182 : i32 to index
      %parallel_loop3A_186 = tpu.vector_load %arg4[%parallel_loop3A_184, %parallel_loop3A_185] {strides = array<i32>} : memref<20x128xi32, #tpu.memory_space<vmem>>, vector<16xi32>,
      tpu.vector_store_idx %arg5[%parallel_loop3A_14, %parallel_loop3A_186], %broadcast_in_dim3A_5 {add = true} : memref<128x16xf32, #tpu.memory_space<vmem>>[vector<16xi32>, vector<16xi32>], vector<16xf32>,
      %parallel_loop3A_187 = arith.constant 16 : i32
      %parallel_loop3A_188 = arith.muli %parallel_loop3A_10, %parallel_loop3A_187 : i32
      %parallel_loop3A_189 = arith.constant 10 : i32
      %parallel_loop3A_190 = arith.index_cast %parallel_loop3A_189 : i32 to index
      %parallel_loop3A_191 = arith.index_cast %parallel_loop3A_188 : i32 to index
      %parallel_loop3A_192 = tpu.vector_load %arg4[%parallel_loop3A_190, %parallel_loop3A_191] {strides = array<i32>} : memref<20x128xi32, #tpu.memory_space<vmem>>, vector<16xi32>,
      tpu.vector_store_idx %arg5[%parallel_loop3A_14, %parallel_loop3A_192], %broadcast_in_dim3A_5 {add = true} : memref<128x16xf32, #tpu.memory_space<vmem>>[vector<16xi32>, vector<16xi32>], vector<16xf32>,
      %parallel_loop3A_193 = arith.constant 16 : i32
      %parallel_loop3A_194 = arith.muli %parallel_loop3A_10, %parallel_loop3A_193 : i32
      %parallel_loop3A_195 = arith.constant 11 : i32
      %parallel_loop3A_196 = arith.index_cast %parallel_loop3A_195 : i32 to index
      %parallel_loop3A_197 = arith.index_cast %parallel_loop3A_194 : i32 to index
      %parallel_loop3A_198 = tpu.vector_load %arg4[%parallel_loop3A_196, %parallel_loop3A_197] {strides = array<i32>} : memref<20x128xi32, #tpu.memory_space<vmem>>, vector<16xi32>,
      tpu.vector_store_idx %arg5[%parallel_loop3A_14, %parallel_loop3A_198], %broadcast_in_dim3A_5 {add = true} : memref<128x16xf32, #tpu.memory_space<vmem>>[vector<16xi32>, vector<16xi32>], vector<16xf32>,
      %parallel_loop3A_199 = arith.constant 16 : i32
      %parallel_loop3A_200 = arith.muli %parallel_loop3A_10, %parallel_loop3A_199 : i32
      %parallel_loop3A_201 = arith.constant 12 : i32
      %parallel_loop3A_202 = arith.index_cast %parallel_loop3A_201 : i32 to index
      %parallel_loop3A_203 = arith.index_cast %parallel_loop3A_200 : i32 to index
      %parallel_loop3A_204 = tpu.vector_load %arg4[%parallel_loop3A_202, %parallel_loop3A_203] {strides = array<i32>} : memref<20x128xi32, #tpu.memory_space<vmem>>, vector<16xi32>,
      tpu.vector_store_idx %arg5[%parallel_loop3A_14, %parallel_loop3A_204], %broadcast_in_dim3A_5 {add = true} : memref<128x16xf32, #tpu.memory_space<vmem>>[vector<16xi32>, vector<16xi32>], vector<16xf32>,
      %parallel_loop3A_205 = arith.constant 16 : i32
      %parallel_loop3A_206 = arith.muli %parallel_loop3A_10, %parallel_loop3A_205 : i32
      %parallel_loop3A_207 = arith.constant 13 : i32
      %parallel_loop3A_208 = arith.index_cast %parallel_loop3A_207 : i32 to index
      %parallel_loop3A_209 = arith.index_cast %parallel_loop3A_206 : i32 to index
      %parallel_loop3A_210 = tpu.vector_load %arg4[%parallel_loop3A_208, %parallel_loop3A_209] {strides = array<i32>} : memref<20x128xi32, #tpu.memory_space<vmem>>, vector<16xi32>,
      tpu.vector_store_idx %arg5[%parallel_loop3A_14, %parallel_loop3A_210], %broadcast_in_dim3A_5 {add = true} : memref<128x16xf32, #tpu.memory_space<vmem>>[vector<16xi32>, vector<16xi32>], vector<16xf32>,
      %parallel_loop3A_211 = arith.constant 16 : i32
      %parallel_loop3A_212 = arith.muli %parallel_loop3A_10, %parallel_loop3A_211 : i32
      %parallel_loop3A_213 = arith.constant 14 : i32
      %parallel_loop3A_214 = arith.index_cast %parallel_loop3A_213 : i32 to index
      %parallel_loop3A_215 = arith.index_cast %parallel_loop3A_212 : i32 to index
      %parallel_loop3A_216 = tpu.vector_load %arg4[%parallel_loop3A_214, %parallel_loop3A_215] {strides = array<i32>} : memref<20x128xi32, #tpu.memory_space<vmem>>, vector<16xi32>,
      tpu.vector_store_idx %arg5[%parallel_loop3A_14, %parallel_loop3A_216], %broadcast_in_dim3A_5 {add = true} : memref<128x16xf32, #tpu.memory_space<vmem>>[vector<16xi32>, vector<16xi32>], vector<16xf32>,
      %parallel_loop3A_217 = arith.constant 16 : i32
      %parallel_loop3A_218 = arith.muli %parallel_loop3A_10, %parallel_loop3A_217 : i32
      %parallel_loop3A_219 = arith.constant 15 : i32
      %parallel_loop3A_220 = arith.index_cast %parallel_loop3A_219 : i32 to index
      %parallel_loop3A_221 = arith.index_cast %parallel_loop3A_218 : i32 to index
      %parallel_loop3A_222 = tpu.vector_load %arg4[%parallel_loop3A_220, %parallel_loop3A_221] {strides = array<i32>} : memref<20x128xi32, #tpu.memory_space<vmem>>, vector<16xi32>,
      tpu.vector_store_idx %arg5[%parallel_loop3A_14, %parallel_loop3A_222], %broadcast_in_dim3A_5 {add = true} : memref<128x16xf32, #tpu.memory_space<vmem>>[vector<16xi32>, vector<16xi32>], vector<16xf32>,
      %parallel_loop3A_223 = arith.constant 16 : i32
      %parallel_loop3A_224 = arith.muli %parallel_loop3A_10, %parallel_loop3A_223 : i32
      %parallel_loop3A_225 = arith.constant 16 : i32
      %parallel_loop3A_226 = arith.index_cast %parallel_loop3A_225 : i32 to index
      %parallel_loop3A_227 = arith.index_cast %parallel_loop3A_224 : i32 to index
      %parallel_loop3A_228 = tpu.vector_load %arg4[%parallel_loop3A_226, %parallel_loop3A_227] {strides = array<i32>} : memref<20x128xi32, #tpu.memory_space<vmem>>, vector<16xi32>,
      tpu.vector_store_idx %arg5[%parallel_loop3A_14, %parallel_loop3A_228], %broadcast_in_dim3A_5 {add = true} : memref<128x16xf32, #tpu.memory_space<vmem>>[vector<16xi32>, vector<16xi32>], vector<16xf32>,
      %parallel_loop3A_229 = arith.constant 16 : i32
      %parallel_loop3A_230 = arith.muli %parallel_loop3A_10, %parallel_loop3A_229 : i32
      %parallel_loop3A_231 = arith.constant 17 : i32
      %parallel_loop3A_232 = arith.index_cast %parallel_loop3A_231 : i32 to index
      %parallel_loop3A_233 = arith.index_cast %parallel_loop3A_230 : i32 to index
      %parallel_loop3A_234 = tpu.vector_load %arg4[%parallel_loop3A_232, %parallel_loop3A_233] {strides = array<i32>} : memref<20x128xi32, #tpu.memory_space<vmem>>, vector<16xi32>,
      tpu.vector_store_idx %arg5[%parallel_loop3A_14, %parallel_loop3A_234], %broadcast_in_dim3A_5 {add = true} : memref<128x16xf32, #tpu.memory_space<vmem>>[vector<16xi32>, vector<16xi32>], vector<16xf32>,
      %parallel_loop3A_235 = arith.constant 16 : i32
      %parallel_loop3A_236 = arith.muli %parallel_loop3A_10, %parallel_loop3A_235 : i32
      %parallel_loop3A_237 = arith.constant 18 : i32
      %parallel_loop3A_238 = arith.index_cast %parallel_loop3A_237 : i32 to index
      %parallel_loop3A_239 = arith.index_cast %parallel_loop3A_236 : i32 to index
      %parallel_loop3A_240 = tpu.vector_load %arg4[%parallel_loop3A_238, %parallel_loop3A_239] {strides = array<i32>} : memref<20x128xi32, #tpu.memory_space<vmem>>, vector<16xi32>,
      tpu.vector_store_idx %arg5[%parallel_loop3A_14, %parallel_loop3A_240], %broadcast_in_dim3A_5 {add = true} : memref<128x16xf32, #tpu.memory_space<vmem>>[vector<16xi32>, vector<16xi32>], vector<16xf32>,
      %parallel_loop3A_241 = arith.constant 16 : i32
      %parallel_loop3A_242 = arith.muli %parallel_loop3A_10, %parallel_loop3A_241 : i32
      %parallel_loop3A_243 = arith.constant 19 : i32
      %parallel_loop3A_244 = arith.index_cast %parallel_loop3A_243 : i32 to index
      %parallel_loop3A_245 = arith.index_cast %parallel_loop3A_242 : i32 to index
      %parallel_loop3A_246 = tpu.vector_load %arg4[%parallel_loop3A_244, %parallel_loop3A_245] {strides = array<i32>} : memref<20x128xi32, #tpu.memory_space<vmem>>, vector<16xi32>,
      tpu.vector_store_idx %arg5[%parallel_loop3A_14, %parallel_loop3A_246], %broadcast_in_dim3A_5 {add = true} : memref<128x16xf32, #tpu.memory_space<vmem>>[vector<16xi32>, vector<16xi32>], vector<16xf32>,
    } {sc.loop_unroll_factor = 2 : i64, sc.parallel_access}
    "tpu.region"() ({
      %run_scoped3A = tpu.sem_alloc : memref<!tpu.dma_semaphore, #tpu.memory_space<semaphore_mem>>
      %dma_start3A = arith.constant 0 : i32
      %dma_start3A_10 = tpu.memref_slice %arg3[%mul3A_2, %dma_start3A] : memref<4096x16xf32, #tpu.memory_space<hbm>> -> memref<128x16xf32, #tpu.memory_space<hbm>>
      %dma_start3A_11 = arith.constant 0 : i32
      %dma_start3A_12 = tpu.memref_slice %arg3[%mul3A_2, %dma_start3A_11] : memref<4096x16xf32, #tpu.memory_space<hbm>> -> memref<128x16xf32, #tpu.memory_space<hbm>>
      tpu.enqueue_dma source(%arg5 : memref<128x16xf32, #tpu.memory_space<vmem>>) target(%dma_start3A_12 : memref<128x16xf32, #tpu.memory_space<hbm>>) target_semaphore(%run_scoped3A : memref<!tpu.dma_semaphore, #tpu.memory_space<semaphore_mem>>)
      %dma_wait3A = arith.constant 0 : i32
      %dma_wait3A_13 = tpu.memref_slice %arg3[%mul3A_2, %dma_wait3A] : memref<4096x16xf32, #tpu.memory_space<hbm>> -> memref<128x16xf32, #tpu.memory_space<hbm>>
      %dma_wait3A_14 = arith.constant 0 : i32
      %dma_wait3A_15 = tpu.memref_slice %arg3[%mul3A_2, %dma_wait3A_14] : memref<4096x16xf32, #tpu.memory_space<hbm>> -> memref<128x16xf32, #tpu.memory_space<hbm>>
      tpu.wait_dma2 semaphore(%run_scoped3A : memref<!tpu.dma_semaphore, #tpu.memory_space<semaphore_mem>>) src(%arg5 : memref<128x16xf32, #tpu.memory_space<vmem>>) dst(%dma_wait3A_15 : memref<128x16xf32, #tpu.memory_space<hbm>>)
      tpu.yield
    }) : () -> ()
    return
  }
}

module attributes {stable_mosaic.version = 14 : i64} {
  func.func @_tc_project2(%arg0: i32, %arg1: memref<16384x256xf32, #tpu.memory_space<any>>, %arg2: memref<2048x16xf32, #tpu.memory_space<vmem>>, %arg3: memref<16x64xf32, #tpu.memory_space<vmem>>, %arg4: memref<64x256xf32, #tpu.memory_space<vmem>>, %arg5: memref<1x256xf32, #tpu.memory_space<vmem>>, %arg6: memref<2048x256xf32, #tpu.memory_space<vmem>>, %arg7: memref<16x256xf32, #tpu.memory_space<vmem>>) attributes {dimension_semantics = [#tpu.dimension_semantics<arbitrary>], iteration_bounds = array<i64: 2>, scalar_prefetch = 0 : i64, scratch_operands = 1 : i64, tpu.core_type = #tpu.core_type<tc>, window_params = [{}, {transform_indices = @transform_1, window_bounds = array<i64: 2048, 16>}, {pipeline_mode = #tpu.pipeline_mode<synchronous>, transform_indices = @transform_2, window_bounds = array<i64: 16, 64>}, {pipeline_mode = #tpu.pipeline_mode<synchronous>, transform_indices = @transform_3, window_bounds = array<i64: 64, 256>}, {pipeline_mode = #tpu.pipeline_mode<synchronous>, transform_indices = @transform_4, window_bounds = array<i64: 1, 256>}, {transform_indices = @transform_5, window_bounds = array<i64: 2048, 256>}]} {
    %eq3A = arith.constant 0 : i32
    %eq3A_0 = arith.cmpi eq, %arg0, %eq3A : i32
    %convert_element_type3A = arith.extui %eq3A_0 : i1 to i32
    %cond3A = arith.constant 0 : i32
    %cond3A_1 = arith.cmpi ne, %convert_element_type3A, %cond3A : i32
    scf.if %cond3A_1 {
      %get3A_16 = arith.constant 0 : index
      %get3A_17 = arith.constant 0 : index
      %get3A_18 = vector.load %arg3[%get3A_16, %get3A_17] : memref<16x64xf32, #tpu.memory_space<vmem>>, vector<16x64xf32>
      %get3A_19 = arith.constant 0 : index
      %get3A_20 = arith.constant 0 : index
      %get3A_21 = vector.load %arg4[%get3A_19, %get3A_20] : memref<64x256xf32, #tpu.memory_space<vmem>>, vector<64x256xf32>
      %dot_general3A_22 = arith.constant dense<0.000000e+00> : vector<16x256xf32>
      %dot_general3A_23 = tpu.matmul %get3A_18, %get3A_21, %dot_general3A_22 {dimension_numbers = #tpu.dot_dimension_numbers<[1], [0], [0], [1], [0, 0, 1, 1], [], []>, transpose_lhs_hint = false} : vector<16x64xf32>, vector<64x256xf32>, vector<16x256xf32> -> vector<16x256xf32>
      %mul3A = arith.constant 5.000000e-02 : f32
      %mul3A_24 = vector.broadcast %mul3A : f32 to vector<16x256xf32>
      %mul3A_25 = arith.mulf %dot_general3A_23, %mul3A_24 : vector<16x256xf32>
      %swap3A_26 = arith.constant 0 : index
      %swap3A_27 = arith.constant 0 : index
      %swap3A_28 = vector.load %arg7[%swap3A_26, %swap3A_27] : memref<16x256xf32, #tpu.memory_space<vmem>>, vector<16x256xf32>
      tpu.vector_store %arg7[%swap3A_26, %swap3A_27], %mul3A_25 {strides = array<i32>} : memref<16x256xf32, #tpu.memory_space<vmem>>, vector<16x256xf32>,
    } else {
    }
    %get3A = arith.constant 0 : index
    %get3A_2 = arith.constant 0 : index
    %get3A_3 = vector.load %arg2[%get3A, %get3A_2] : memref<2048x16xf32, #tpu.memory_space<vmem>>, vector<2048x16xf32>
    %get3A_4 = arith.constant 0 : index
    %get3A_5 = arith.constant 0 : index
    %get3A_6 = vector.load %arg7[%get3A_4, %get3A_5] : memref<16x256xf32, #tpu.memory_space<vmem>>, vector<16x256xf32>
    %dot_general3A = arith.constant dense<0.000000e+00> : vector<2048x256xf32>
    %dot_general3A_7 = tpu.matmul %get3A_3, %get3A_6, %dot_general3A {dimension_numbers = #tpu.dot_dimension_numbers<[1], [0], [0], [1], [0, 0, 1, 1], [], []>, transpose_lhs_hint = false} : vector<2048x16xf32>, vector<16x256xf32>, vector<2048x256xf32> -> vector<2048x256xf32>
    %get3A_8 = arith.constant 0 : index
    %get3A_9 = arith.constant 0 : index
    %get3A_10 = vector.load %arg5[%get3A_8, %get3A_9] : memref<1x256xf32, #tpu.memory_space<vmem>>, vector<1x256xf32>
    %add3A = vector.broadcast %get3A_10 : vector<1x256xf32> to vector<2048x256xf32>
    %add3A_11 = arith.addf %dot_general3A_7, %add3A : vector<2048x256xf32>
    %max3A = arith.constant 0.000000e+00 : f32
    %max3A_12 = vector.broadcast %max3A : f32 to vector<2048x256xf32>
    %max3A_13 = arith.maximumf %add3A_11, %max3A_12 : vector<2048x256xf32>
    %swap3A = arith.constant 0 : index
    %swap3A_14 = arith.constant 0 : index
    %swap3A_15 = vector.load %arg6[%swap3A, %swap3A_14] : memref<2048x256xf32, #tpu.memory_space<vmem>>, vector<2048x256xf32>
    tpu.vector_store %arg6[%swap3A, %swap3A_14], %max3A_13 {strides = array<i32>} : memref<2048x256xf32, #tpu.memory_space<vmem>>, vector<2048x256xf32>,
    return
  }
  func.func @transform_1(%arg0: i32) -> (i32, i32) {
    %c0_i32 = arith.constant 0 : i32
    %c0_i32_0 = arith.constant 0 : i32
    return %arg0, %c0_i32 : i32, i32
  }
  func.func @transform_2(%arg0: i32) -> (i32, i32) {
    %c0_i32 = arith.constant 0 : i32
    %c0_i32_0 = arith.constant 0 : i32
    %c0_i32_1 = arith.constant 0 : i32
    return %c0_i32, %c0_i32_0 : i32, i32
  }
  func.func @transform_3(%arg0: i32) -> (i32, i32) {
    %c0_i32 = arith.constant 0 : i32
    %c0_i32_0 = arith.constant 0 : i32
    %c0_i32_1 = arith.constant 0 : i32
    return %c0_i32, %c0_i32_0 : i32, i32
  }
  func.func @transform_4(%arg0: i32) -> (i32, i32) {
    %c0_i32 = arith.constant 0 : i32
    %c0_i32_0 = arith.constant 0 : i32
    %c0_i32_1 = arith.constant 0 : i32
    return %c0_i32, %c0_i32_0 : i32, i32
  }
  func.func @transform_5(%arg0: i32) -> (i32, i32) {
    %add3A = arith.constant 6 : i32
    %add3A_0 = arith.addi %arg0, %add3A : i32
    %c0_i32 = arith.constant 0 : i32
    %c0_i32_1 = arith.constant 0 : i32
    return %add3A_0, %c0_i32 : i32, i32
  }
}

module attributes {stable_mosaic.version = 14 : i64} {
  func.func @_tc_hist_project(%arg0: i32, %arg1: memref<20x4096xi32, #tpu.memory_space<vmem>>, %arg2: memref<16x64xf32, #tpu.memory_space<vmem>>, %arg3: memref<64x256xf32, #tpu.memory_space<vmem>>, %arg4: memref<1x256xf32, #tpu.memory_space<vmem>>, %arg5: memref<4096x256xf32, #tpu.memory_space<vmem>>, %arg6: memref<16x256xf32, #tpu.memory_space<vmem>>) attributes {dimension_semantics = [#tpu.dimension_semantics<arbitrary>], iteration_bounds = array<i64: 3>, scalar_prefetch = 0 : i64, scratch_operands = 1 : i64, tpu.core_type = #tpu.core_type<tc>, window_params = [{transform_indices = @transform_0, window_bounds = array<i64: 20, 4096>}, {pipeline_mode = #tpu.pipeline_mode<synchronous>, transform_indices = @transform_1, window_bounds = array<i64: 16, 64>}, {pipeline_mode = #tpu.pipeline_mode<synchronous>, transform_indices = @transform_2, window_bounds = array<i64: 64, 256>}, {pipeline_mode = #tpu.pipeline_mode<synchronous>, transform_indices = @transform_3, window_bounds = array<i64: 1, 256>}, {transform_indices = @transform_4, window_bounds = array<i64: 4096, 256>}]} {
    %eq3A = arith.constant 0 : i32
    %eq3A_0 = arith.cmpi eq, %arg0, %eq3A : i32
    %convert_element_type3A = arith.extui %eq3A_0 : i1 to i32
    %cond3A = arith.constant 0 : i32
    %cond3A_1 = arith.cmpi ne, %convert_element_type3A, %cond3A : i32
    scf.if %cond3A_1 {
      %get3A_142 = arith.constant 0 : index
      %get3A_143 = arith.constant 0 : index
      %get3A_144 = vector.load %arg2[%get3A_142, %get3A_143] : memref<16x64xf32, #tpu.memory_space<vmem>>, vector<16x64xf32>
      %get3A_145 = arith.constant 0 : index
      %get3A_146 = arith.constant 0 : index
      %get3A_147 = vector.load %arg3[%get3A_145, %get3A_146] : memref<64x256xf32, #tpu.memory_space<vmem>>, vector<64x256xf32>
      %dot_general3A_148 = arith.constant dense<0.000000e+00> : vector<16x256xf32>
      %dot_general3A_149 = tpu.matmul %get3A_144, %get3A_147, %dot_general3A_148 {dimension_numbers = #tpu.dot_dimension_numbers<[1], [0], [0], [1], [0, 0, 1, 1], [], []>, transpose_lhs_hint = false} : vector<16x64xf32>, vector<64x256xf32>, vector<16x256xf32> -> vector<16x256xf32>
      %mul3A = arith.constant 5.000000e-02 : f32
      %mul3A_150 = vector.broadcast %mul3A : f32 to vector<16x256xf32>
      %mul3A_151 = arith.mulf %dot_general3A_149, %mul3A_150 : vector<16x256xf32>
      %swap3A_152 = arith.constant 0 : index
      %swap3A_153 = arith.constant 0 : index
      %swap3A_154 = vector.load %arg6[%swap3A_152, %swap3A_153] : memref<16x256xf32, #tpu.memory_space<vmem>>, vector<16x256xf32>
      tpu.vector_store %arg6[%swap3A_152, %swap3A_153], %mul3A_151 {strides = array<i32>} : memref<16x256xf32, #tpu.memory_space<vmem>>, vector<16x256xf32>,
    } else {
    }
    %get3A = arith.constant 0 : index
    %get3A_2 = arith.constant 0 : index
    %get3A_3 = vector.load %arg1[%get3A, %get3A_2] : memref<20x4096xi32, #tpu.memory_space<vmem>>, vector<20x4096xi32>
    %eq3A_4 = arith.constant 0 : i32
    %eq3A_5 = vector.broadcast %eq3A_4 : i32 to vector<20x4096xi32>
    %eq3A_6 = arith.cmpi eq, %get3A_3, %eq3A_5 : vector<20x4096xi32>
    %convert_element_type3A_7 = arith.extui %eq3A_6 : vector<20x4096xi1> to vector<20x4096xi32>
    %convert_element_type3A_8 = arith.sitofp %convert_element_type3A_7 : vector<20x4096xi32> to vector<20x4096xf32>
    %reduce_sum3A = arith.constant dense<0.000000e+00> : vector<4096xf32>
    %reduce_sum3A_9 = vector.multi_reduction <add>, %convert_element_type3A_8, %reduce_sum3A [0] : vector<20x4096xf32> to vector<4096xf32>
    %broadcast_in_dim3A = vector.shape_cast %reduce_sum3A_9 : vector<4096xf32> to vector<1x4096xf32>
    %eq3A_10 = arith.constant 1 : i32
    %eq3A_11 = vector.broadcast %eq3A_10 : i32 to vector<20x4096xi32>
    %eq3A_12 = arith.cmpi eq, %get3A_3, %eq3A_11 : vector<20x4096xi32>
    %convert_element_type3A_13 = arith.extui %eq3A_12 : vector<20x4096xi1> to vector<20x4096xi32>
    %convert_element_type3A_14 = arith.sitofp %convert_element_type3A_13 : vector<20x4096xi32> to vector<20x4096xf32>
    %reduce_sum3A_15 = arith.constant dense<0.000000e+00> : vector<4096xf32>
    %reduce_sum3A_16 = vector.multi_reduction <add>, %convert_element_type3A_14, %reduce_sum3A_15 [0] : vector<20x4096xf32> to vector<4096xf32>
    %broadcast_in_dim3A_17 = vector.shape_cast %reduce_sum3A_16 : vector<4096xf32> to vector<1x4096xf32>
    %eq3A_18 = arith.constant 2 : i32
    %eq3A_19 = vector.broadcast %eq3A_18 : i32 to vector<20x4096xi32>
    %eq3A_20 = arith.cmpi eq, %get3A_3, %eq3A_19 : vector<20x4096xi32>
    %convert_element_type3A_21 = arith.extui %eq3A_20 : vector<20x4096xi1> to vector<20x4096xi32>
    %convert_element_type3A_22 = arith.sitofp %convert_element_type3A_21 : vector<20x4096xi32> to vector<20x4096xf32>
    %reduce_sum3A_23 = arith.constant dense<0.000000e+00> : vector<4096xf32>
    %reduce_sum3A_24 = vector.multi_reduction <add>, %convert_element_type3A_22, %reduce_sum3A_23 [0] : vector<20x4096xf32> to vector<4096xf32>
    %broadcast_in_dim3A_25 = vector.shape_cast %reduce_sum3A_24 : vector<4096xf32> to vector<1x4096xf32>
    %eq3A_26 = arith.constant 3 : i32
    %eq3A_27 = vector.broadcast %eq3A_26 : i32 to vector<20x4096xi32>
    %eq3A_28 = arith.cmpi eq, %get3A_3, %eq3A_27 : vector<20x4096xi32>
    %convert_element_type3A_29 = arith.extui %eq3A_28 : vector<20x4096xi1> to vector<20x4096xi32>
    %convert_element_type3A_30 = arith.sitofp %convert_element_type3A_29 : vector<20x4096xi32> to vector<20x4096xf32>
    %reduce_sum3A_31 = arith.constant dense<0.000000e+00> : vector<4096xf32>
    %reduce_sum3A_32 = vector.multi_reduction <add>, %convert_element_type3A_30, %reduce_sum3A_31 [0] : vector<20x4096xf32> to vector<4096xf32>
    %broadcast_in_dim3A_33 = vector.shape_cast %reduce_sum3A_32 : vector<4096xf32> to vector<1x4096xf32>
    %eq3A_34 = arith.constant 4 : i32
    %eq3A_35 = vector.broadcast %eq3A_34 : i32 to vector<20x4096xi32>
    %eq3A_36 = arith.cmpi eq, %get3A_3, %eq3A_35 : vector<20x4096xi32>
    %convert_element_type3A_37 = arith.extui %eq3A_36 : vector<20x4096xi1> to vector<20x4096xi32>
    %convert_element_type3A_38 = arith.sitofp %convert_element_type3A_37 : vector<20x4096xi32> to vector<20x4096xf32>
    %reduce_sum3A_39 = arith.constant dense<0.000000e+00> : vector<4096xf32>
    %reduce_sum3A_40 = vector.multi_reduction <add>, %convert_element_type3A_38, %reduce_sum3A_39 [0] : vector<20x4096xf32> to vector<4096xf32>
    %broadcast_in_dim3A_41 = vector.shape_cast %reduce_sum3A_40 : vector<4096xf32> to vector<1x4096xf32>
    %eq3A_42 = arith.constant 5 : i32
    %eq3A_43 = vector.broadcast %eq3A_42 : i32 to vector<20x4096xi32>
    %eq3A_44 = arith.cmpi eq, %get3A_3, %eq3A_43 : vector<20x4096xi32>
    %convert_element_type3A_45 = arith.extui %eq3A_44 : vector<20x4096xi1> to vector<20x4096xi32>
    %convert_element_type3A_46 = arith.sitofp %convert_element_type3A_45 : vector<20x4096xi32> to vector<20x4096xf32>
    %reduce_sum3A_47 = arith.constant dense<0.000000e+00> : vector<4096xf32>
    %reduce_sum3A_48 = vector.multi_reduction <add>, %convert_element_type3A_46, %reduce_sum3A_47 [0] : vector<20x4096xf32> to vector<4096xf32>
    %broadcast_in_dim3A_49 = vector.shape_cast %reduce_sum3A_48 : vector<4096xf32> to vector<1x4096xf32>
    %eq3A_50 = arith.constant 6 : i32
    %eq3A_51 = vector.broadcast %eq3A_50 : i32 to vector<20x4096xi32>
    %eq3A_52 = arith.cmpi eq, %get3A_3, %eq3A_51 : vector<20x4096xi32>
    %convert_element_type3A_53 = arith.extui %eq3A_52 : vector<20x4096xi1> to vector<20x4096xi32>
    %convert_element_type3A_54 = arith.sitofp %convert_element_type3A_53 : vector<20x4096xi32> to vector<20x4096xf32>
    %reduce_sum3A_55 = arith.constant dense<0.000000e+00> : vector<4096xf32>
    %reduce_sum3A_56 = vector.multi_reduction <add>, %convert_element_type3A_54, %reduce_sum3A_55 [0] : vector<20x4096xf32> to vector<4096xf32>
    %broadcast_in_dim3A_57 = vector.shape_cast %reduce_sum3A_56 : vector<4096xf32> to vector<1x4096xf32>
    %eq3A_58 = arith.constant 7 : i32
    %eq3A_59 = vector.broadcast %eq3A_58 : i32 to vector<20x4096xi32>
    %eq3A_60 = arith.cmpi eq, %get3A_3, %eq3A_59 : vector<20x4096xi32>
    %convert_element_type3A_61 = arith.extui %eq3A_60 : vector<20x4096xi1> to vector<20x4096xi32>
    %convert_element_type3A_62 = arith.sitofp %convert_element_type3A_61 : vector<20x4096xi32> to vector<20x4096xf32>
    %reduce_sum3A_63 = arith.constant dense<0.000000e+00> : vector<4096xf32>
    %reduce_sum3A_64 = vector.multi_reduction <add>, %convert_element_type3A_62, %reduce_sum3A_63 [0] : vector<20x4096xf32> to vector<4096xf32>
    %broadcast_in_dim3A_65 = vector.shape_cast %reduce_sum3A_64 : vector<4096xf32> to vector<1x4096xf32>
    %eq3A_66 = arith.constant 8 : i32
    %eq3A_67 = vector.broadcast %eq3A_66 : i32 to vector<20x4096xi32>
    %eq3A_68 = arith.cmpi eq, %get3A_3, %eq3A_67 : vector<20x4096xi32>
    %convert_element_type3A_69 = arith.extui %eq3A_68 : vector<20x4096xi1> to vector<20x4096xi32>
    %convert_element_type3A_70 = arith.sitofp %convert_element_type3A_69 : vector<20x4096xi32> to vector<20x4096xf32>
    %reduce_sum3A_71 = arith.constant dense<0.000000e+00> : vector<4096xf32>
    %reduce_sum3A_72 = vector.multi_reduction <add>, %convert_element_type3A_70, %reduce_sum3A_71 [0] : vector<20x4096xf32> to vector<4096xf32>
    %broadcast_in_dim3A_73 = vector.shape_cast %reduce_sum3A_72 : vector<4096xf32> to vector<1x4096xf32>
    %eq3A_74 = arith.constant 9 : i32
    %eq3A_75 = vector.broadcast %eq3A_74 : i32 to vector<20x4096xi32>
    %eq3A_76 = arith.cmpi eq, %get3A_3, %eq3A_75 : vector<20x4096xi32>
    %convert_element_type3A_77 = arith.extui %eq3A_76 : vector<20x4096xi1> to vector<20x4096xi32>
    %convert_element_type3A_78 = arith.sitofp %convert_element_type3A_77 : vector<20x4096xi32> to vector<20x4096xf32>
    %reduce_sum3A_79 = arith.constant dense<0.000000e+00> : vector<4096xf32>
    %reduce_sum3A_80 = vector.multi_reduction <add>, %convert_element_type3A_78, %reduce_sum3A_79 [0] : vector<20x4096xf32> to vector<4096xf32>
    %broadcast_in_dim3A_81 = vector.shape_cast %reduce_sum3A_80 : vector<4096xf32> to vector<1x4096xf32>
    %eq3A_82 = arith.constant 10 : i32
    %eq3A_83 = vector.broadcast %eq3A_82 : i32 to vector<20x4096xi32>
    %eq3A_84 = arith.cmpi eq, %get3A_3, %eq3A_83 : vector<20x4096xi32>
    %convert_element_type3A_85 = arith.extui %eq3A_84 : vector<20x4096xi1> to vector<20x4096xi32>
    %convert_element_type3A_86 = arith.sitofp %convert_element_type3A_85 : vector<20x4096xi32> to vector<20x4096xf32>
    %reduce_sum3A_87 = arith.constant dense<0.000000e+00> : vector<4096xf32>
    %reduce_sum3A_88 = vector.multi_reduction <add>, %convert_element_type3A_86, %reduce_sum3A_87 [0] : vector<20x4096xf32> to vector<4096xf32>
    %broadcast_in_dim3A_89 = vector.shape_cast %reduce_sum3A_88 : vector<4096xf32> to vector<1x4096xf32>
    %eq3A_90 = arith.constant 11 : i32
    %eq3A_91 = vector.broadcast %eq3A_90 : i32 to vector<20x4096xi32>
    %eq3A_92 = arith.cmpi eq, %get3A_3, %eq3A_91 : vector<20x4096xi32>
    %convert_element_type3A_93 = arith.extui %eq3A_92 : vector<20x4096xi1> to vector<20x4096xi32>
    %convert_element_type3A_94 = arith.sitofp %convert_element_type3A_93 : vector<20x4096xi32> to vector<20x4096xf32>
    %reduce_sum3A_95 = arith.constant dense<0.000000e+00> : vector<4096xf32>
    %reduce_sum3A_96 = vector.multi_reduction <add>, %convert_element_type3A_94, %reduce_sum3A_95 [0] : vector<20x4096xf32> to vector<4096xf32>
    %broadcast_in_dim3A_97 = vector.shape_cast %reduce_sum3A_96 : vector<4096xf32> to vector<1x4096xf32>
    %eq3A_98 = arith.constant 12 : i32
    %eq3A_99 = vector.broadcast %eq3A_98 : i32 to vector<20x4096xi32>
    %eq3A_100 = arith.cmpi eq, %get3A_3, %eq3A_99 : vector<20x4096xi32>
    %convert_element_type3A_101 = arith.extui %eq3A_100 : vector<20x4096xi1> to vector<20x4096xi32>
    %convert_element_type3A_102 = arith.sitofp %convert_element_type3A_101 : vector<20x4096xi32> to vector<20x4096xf32>
    %reduce_sum3A_103 = arith.constant dense<0.000000e+00> : vector<4096xf32>
    %reduce_sum3A_104 = vector.multi_reduction <add>, %convert_element_type3A_102, %reduce_sum3A_103 [0] : vector<20x4096xf32> to vector<4096xf32>
    %broadcast_in_dim3A_105 = vector.shape_cast %reduce_sum3A_104 : vector<4096xf32> to vector<1x4096xf32>
    %eq3A_106 = arith.constant 13 : i32
    %eq3A_107 = vector.broadcast %eq3A_106 : i32 to vector<20x4096xi32>
    %eq3A_108 = arith.cmpi eq, %get3A_3, %eq3A_107 : vector<20x4096xi32>
    %convert_element_type3A_109 = arith.extui %eq3A_108 : vector<20x4096xi1> to vector<20x4096xi32>
    %convert_element_type3A_110 = arith.sitofp %convert_element_type3A_109 : vector<20x4096xi32> to vector<20x4096xf32>
    %reduce_sum3A_111 = arith.constant dense<0.000000e+00> : vector<4096xf32>
    %reduce_sum3A_112 = vector.multi_reduction <add>, %convert_element_type3A_110, %reduce_sum3A_111 [0] : vector<20x4096xf32> to vector<4096xf32>
    %broadcast_in_dim3A_113 = vector.shape_cast %reduce_sum3A_112 : vector<4096xf32> to vector<1x4096xf32>
    %eq3A_114 = arith.constant 14 : i32
    %eq3A_115 = vector.broadcast %eq3A_114 : i32 to vector<20x4096xi32>
    %eq3A_116 = arith.cmpi eq, %get3A_3, %eq3A_115 : vector<20x4096xi32>
    %convert_element_type3A_117 = arith.extui %eq3A_116 : vector<20x4096xi1> to vector<20x4096xi32>
    %convert_element_type3A_118 = arith.sitofp %convert_element_type3A_117 : vector<20x4096xi32> to vector<20x4096xf32>
    %reduce_sum3A_119 = arith.constant dense<0.000000e+00> : vector<4096xf32>
    %reduce_sum3A_120 = vector.multi_reduction <add>, %convert_element_type3A_118, %reduce_sum3A_119 [0] : vector<20x4096xf32> to vector<4096xf32>
    %broadcast_in_dim3A_121 = vector.shape_cast %reduce_sum3A_120 : vector<4096xf32> to vector<1x4096xf32>
    %eq3A_122 = arith.constant 15 : i32
    %eq3A_123 = vector.broadcast %eq3A_122 : i32 to vector<20x4096xi32>
    %eq3A_124 = arith.cmpi eq, %get3A_3, %eq3A_123 : vector<20x4096xi32>
    %convert_element_type3A_125 = arith.extui %eq3A_124 : vector<20x4096xi1> to vector<20x4096xi32>
    %convert_element_type3A_126 = arith.sitofp %convert_element_type3A_125 : vector<20x4096xi32> to vector<20x4096xf32>
    %reduce_sum3A_127 = arith.constant dense<0.000000e+00> : vector<4096xf32>
    %reduce_sum3A_128 = vector.multi_reduction <add>, %convert_element_type3A_126, %reduce_sum3A_127 [0] : vector<20x4096xf32> to vector<4096xf32>
    %broadcast_in_dim3A_129 = vector.shape_cast %reduce_sum3A_128 : vector<4096xf32> to vector<1x4096xf32>
    %concatenate3A = tpu.concatenate %broadcast_in_dim3A, %broadcast_in_dim3A_17, %broadcast_in_dim3A_25, %broadcast_in_dim3A_33, %broadcast_in_dim3A_41, %broadcast_in_dim3A_49, %broadcast_in_dim3A_57, %broadcast_in_dim3A_65, %broadcast_in_dim3A_73, %broadcast_in_dim3A_81, %broadcast_in_dim3A_89, %broadcast_in_dim3A_97, %broadcast_in_dim3A_105, %broadcast_in_dim3A_113, %broadcast_in_dim3A_121, %broadcast_in_dim3A_129 in 0 : vector<1x4096xf32>, vector<1x4096xf32>, vector<1x4096xf32>, vector<1x4096xf32>, vector<1x4096xf32>, vector<1x4096xf32>, vector<1x4096xf32>, vector<1x4096xf32>, vector<1x4096xf32>, vector<1x4096xf32>, vector<1x4096xf32>, vector<1x4096xf32>, vector<1x4096xf32>, vector<1x4096xf32>, vector<1x4096xf32>, vector<1x4096xf32> -> vector<16x4096xf32>
    %get3A_130 = arith.constant 0 : index
    %get3A_131 = arith.constant 0 : index
    %get3A_132 = vector.load %arg6[%get3A_130, %get3A_131] : memref<16x256xf32, #tpu.memory_space<vmem>>, vector<16x256xf32>
    %dot_general3A = arith.constant dense<0.000000e+00> : vector<4096x256xf32>
    %dot_general3A_133 = tpu.matmul %concatenate3A, %get3A_132, %dot_general3A {dimension_numbers = #tpu.dot_dimension_numbers<[0], [0], [1], [1], [0, 1, 1, 1], [], []>, transpose_lhs_hint = false} : vector<16x4096xf32>, vector<16x256xf32>, vector<4096x256xf32> -> vector<4096x256xf32>
    %get3A_134 = arith.constant 0 : index
    %get3A_135 = arith.constant 0 : index
    %get3A_136 = vector.load %arg4[%get3A_134, %get3A_135] : memref<1x256xf32, #tpu.memory_space<vmem>>, vector<1x256xf32>
    %add3A = vector.broadcast %get3A_136 : vector<1x256xf32> to vector<4096x256xf32>
    %add3A_137 = arith.addf %dot_general3A_133, %add3A : vector<4096x256xf32>
    %max3A = arith.constant 0.000000e+00 : f32
    %max3A_138 = vector.broadcast %max3A : f32 to vector<4096x256xf32>
    %max3A_139 = arith.maximumf %add3A_137, %max3A_138 : vector<4096x256xf32>
    %swap3A = arith.constant 0 : index
    %swap3A_140 = arith.constant 0 : index
    %swap3A_141 = vector.load %arg5[%swap3A, %swap3A_140] : memref<4096x256xf32, #tpu.memory_space<vmem>>, vector<4096x256xf32>
    tpu.vector_store %arg5[%swap3A, %swap3A_140], %max3A_139 {strides = array<i32>} : memref<4096x256xf32, #tpu.memory_space<vmem>>, vector<4096x256xf32>,
    return
  }
  func.func @transform_0(%arg0: i32) -> (i32, i32) {
    %c0_i32 = arith.constant 0 : i32
    %c0_i32_0 = arith.constant 0 : i32
    return %c0_i32, %arg0 : i32, i32
  }
  func.func @transform_1(%arg0: i32) -> (i32, i32) {
    %c0_i32 = arith.constant 0 : i32
    %c0_i32_0 = arith.constant 0 : i32
    %c0_i32_1 = arith.constant 0 : i32
    return %c0_i32, %c0_i32_0 : i32, i32
  }
  func.func @transform_2(%arg0: i32) -> (i32, i32) {
    %c0_i32 = arith.constant 0 : i32
    %c0_i32_0 = arith.constant 0 : i32
    %c0_i32_1 = arith.constant 0 : i32
    return %c0_i32, %c0_i32_0 : i32, i32
  }
  func.func @transform_3(%arg0: i32) -> (i32, i32) {
    %c0_i32 = arith.constant 0 : i32
    %c0_i32_0 = arith.constant 0 : i32
    %c0_i32_1 = arith.constant 0 : i32
    return %c0_i32, %c0_i32_0 : i32, i32
  }
  func.func @transform_4(%arg0: i32) -> (i32, i32) {
    %c0_i32 = arith.constant 0 : i32
    %c0_i32_0 = arith.constant 0 : i32
    return %arg0, %c0_i32 : i32, i32
  }
}

</mosaic_0001>

<sc_bundles>
// kernel: kernel.5.cloned.1.call-start
scs
__scs_entry_jumppad:
0x0: {  	(pc) =	sbr.rel $0x88, $3  }
0x1: {  	(tag) =	ssettag $0x0;
	lr =	simm.s32 $0x1  }
0x2: {  	[smem:$0x3F9D] =	sst lr;
	_ =	strace $0xD0000000  }
0x3: {  	_ = 	snop  }
0x4: {  	_ = 	snop  }
0x5: {  	_ = 	snop  }
0x6: {  	_ = 	snop  }
0x7: {  	_ = 	snop  }
__scs_overlays_trampoline_lowered:
0x8: {  	[smem:$0x3FAC] =	sst s0  }
0x9: {  	[smem:$0x3FAD] =	sst s1  }
0xa: {  	[smem:$0x3FAE] =	sst s2  }
0xb: {  	[smem:$0x3FAF] =	sst s3  }
0xc: {  	[smem:$0x3FB0] =	sst s4  }
0xd: {  	[smem:$0x3FB1] =	sst s5  }
0xe: {  	[smem:$0x3FB2] =	sst s6  }
0xf: {  	[smem:$0x3FB3] =	sst s7  }
0x10: {  	[smem:$0x3FB4] =	sst s8  }
0x11: {  	[smem:$0x3FB5] =	sst s9;
	s0 =	simm.s32 @!p0 $0x0  }
0x12: {  	s1 =	sld [smem:$0x3F9B];
	s0 =	simm.s32 @p0 $0x1  }
0x13: {  	[smem:$0x3FB6] =	sst s0;
	s0 =	simm.s32 @!p1 $0x0  }
0x14: {  	s2 =	sld [smem:$0x3F9A];
	s0 =	simm.s32 @p1 $0x1  }
0x15: {  	[smem:$0x3FB7] =	sst s0;
	s0 =	simm.s32 @!p2 $0x0  }
0x16: {  	s3 =	sld [smem:$0x3FDB];
	s0 =	simm.s32 @p2 $0x1  }
0x17: {  	s4 =	simm.s32 $0x1BF5;
	[smem:$0x3FB9] =	sst s0  }
0x18: {  	s0 =	sld [smem:$0x3F9C];
	_ =	swait.ge [sflag:s4], $0x0  }
0x19: {  	s7 =	sld [smem:$0x3F9D]  }
0x1a: {  	s8 =	sadd.s32 $0xFFFFE003, lr  }
0x1b: {  	s9 =	sadd.s32 $0xFFFFFEF7, lr;
	s5 =	simm.s32 $0xFFFFFFFF;
	p2 =	slt.u32 s8, $0xFFFFF086  }
0x1c: {  	p1 =	slt.u32 s9, $0xF7A;
	s5 =	simm.s32 @!p2 $0x0  }
0x1d: {  	s5 =	simm.s32 @p1 $0x1;
	p0 =	seq.s32 s7, s2  }
0x1e: {  	s7 =	smul.u32 @!p0 $0xF7A, s2;
	p2 =	seq.s32 @!p0 s5, $0x0  }
0x1f: {  	s9 =	smul.u32 $0xF7A, s1;
	s8 =	simm.s32 @!p0 $0x1BF5;
	p2 =	por !p2, p0  }
0x20: {  	[sflag:s8] =	ssyncset.s32 @!p0 $0xFFFFF086;
	s6 =	sadd.s32 @!p0 s3, s7;
	s7 =	simm.s32 @!p0 $0x108  }
0x21: {  	s3 =	sadd.s32 s3, s9;
	s6 =	sadd.s32 @!p0 $0x88, s6;
	s7 =	simm.s32 @p2 $0x1082  }
0x22: {  	[simem:s7], [sflag:s8] =	dma.local @!p0 [hbm:s6], $0xF7A  }
0x23: {  	s9 =	sor.u32 $0xD0000000, s2;
	s6 =	simm.s32 $0x108;
	_ =	swait.ge @!p0 [sflag:s8], $0x0  }
0x24: {  	s3 =	sadd.s32 $0x88, s3;
	s6 =	simm.s32 @!p1 $0x1082;
	[sflag:s4] =	ssyncset.s32 $0xFFFFF086  }
0x25: {  	[simem:s6], [sflag:s4] =	dma.local [hbm:s3], $0xF7A  }
0x26: {  	[smem:$0x3F9D] =	sst s1;
	(tag) =	ssettag s2;
	_ =	strace s9  }
0x27: {  	s1 =	sld [smem:$0x3FAD]  }
0x28: {  	s2 =	sld [smem:$0x3FAE]  }
0x29: {  	s4 =	sld [smem:$0x3FB0]  }
0x2a: {  	p0 =	seq.s32 s5, $0x0;
	s5 =	sld [smem:$0x3FB1]  }
0x2b: {  	s6 =	sld [smem:$0x3FB2]  }
0x2c: {  	s7 =	sld [smem:$0x3FB3]  }
0x2d: {  	s3 =	simm.s32 $0x108;
	s8 =	sld [smem:$0x3FB4]  }
0x2e: {  	s3 =	simm.s32 @!p0 $0x1082;
	s9 =	sld [smem:$0x3FB5]  }
0x2f: {  	lr =	sadd.s32 s0, s3;
	s0 =	sld [smem:$0x3FAC]  }
0x30: {  	s3 =	sld [smem:$0x3FAF]  }
0x31: {  	[smem:$0x3FB8] =	sst s10  }
0x32: {  	s10 =	sld [smem:$0x3FB6];
	_ =	sdelay $0x3  }
0x33: {  	p0 =	seq.s32 s10, $0x1;
	s10 =	sld [smem:$0x3FB8];
	_ =	sdelay $0x3  }
0x34: {  	[smem:$0x3FB8] =	sst s10  }
0x35: {  	s10 =	sld [smem:$0x3FB7];
	_ =	sdelay $0x3  }
0x36: {  	p1 =	seq.s32 s10, $0x1;
	s10 =	sld [smem:$0x3FB8];
	_ =	sdelay $0x3  }
0x37: {  	[smem:$0x3FB8] =	sst s10  }
0x38: {  	s10 =	sld [smem:$0x3FB9]  }
0x39: {  	_ = 	snop;
	(pc) =	sbr.ind lr, $3  }
0x3a: {  	_ = 	snop  }
0x3b: {  	_ = 	snop  }
0x3c: {  	p2 =	seq.s32 s10, $0x1;
	s10 =	sld [smem:$0x3FB8]  }
0x3d: {  	_ =	shalt  }
0x3e: {  	_ =	shalt  }
0x3f: {  	_ =	shalt  }
0x40: {  	_ =	shalt  }
0x41: {  	_ =	shalt  }
0x42: {  	_ =	shalt  }
0x43: {  	_ =	shalt  }
0x44: {  	_ =	shalt  }
0x45: {  	_ =	shalt  }
0x46: {  	_ =	shalt  }
0x47: {  	_ =	shalt  }
0x48: {  	_ =	shalt  }
0x49: {  	_ =	shalt  }
0x4a: {  	_ =	shalt  }
0x4b: {  	_ =	shalt  }
0x4c: {  	_ =	shalt  }
0x4d: {  	_ =	shalt  }
0x4e: {  	_ =	shalt  }
0x4f: {  	_ =	shalt  }
0x50: {  	_ =	shalt  }
0x51: {  	_ =	shalt  }
0x52: {  	_ =	shalt  }
0x53: {  	_ =	shalt  }
0x54: {  	_ =	shalt  }
0x55: {  	_ =	shalt  }
0x56: {  	_ =	shalt  }
0x57: {  	_ =	shalt  }
0x58: {  	_ =	shalt  }
0x59: {  	_ =	shalt  }
0x5a: {  	_ =	shalt  }
0x5b: {  	_ =	shalt  }
0x5c: {  	_ =	shalt  }
0x5d: {  	_ =	shalt  }
0x5e: {  	_ =	shalt  }
0x5f: {  	_ =	shalt  }
0x60: {  	_ =	shalt  }
0x61: {  	_ =	shalt  }
0x62: {  	_ =	shalt  }
0x63: {  	_ =	shalt  }
0x64: {  	_ =	shalt  }
0x65: {  	_ =	shalt  }
0x66: {  	_ =	shalt  }
0x67: {  	_ =	shalt  }
0x68: {  	_ =	shalt  }
0x69: {  	_ =	shalt  }
0x6a: {  	_ =	shalt  }
0x6b: {  	_ =	shalt  }
0x6c: {  	_ =	shalt  }
0x6d: {  	_ =	shalt  }
0x6e: {  	_ =	shalt  }
0x6f: {  	_ =	shalt  }
0x70: {  	_ =	shalt  }
0x71: {  	_ =	shalt  }
0x72: {  	_ =	shalt  }
0x73: {  	_ =	shalt  }
0x74: {  	_ =	shalt  }
0x75: {  	_ =	shalt  }
0x76: {  	_ =	shalt  }
0x77: {  	_ =	shalt  }
0x78: {  	_ =	shalt  }
0x79: {  	_ =	shalt  }
0x7a: {  	_ =	shalt  }
0x7b: {  	_ =	shalt  }
0x7c: {  	_ =	shalt  }
0x7d: {  	_ =	shalt  }
0x7e: {  	_ =	shalt  }
0x7f: {  	_ =	shalt  }
0x80: {  	_ =	shalt  }
0x81: {  	_ =	shalt  }
0x82: {  	_ =	shalt  }
0x83: {  	_ =	shalt  }
0x84: {  	_ =	shalt  }
0x85: {  	_ =	shalt  }
0x86: {  	_ =	shalt  }
0x87: {  	_ =	shalt  }
.Lfunc_end0:
.L_simem_size_0:
called_computation_lowered:
.L_overlay_start_0:
0x88: {  	s2 =	sld [smem:$0x3FD9]  }
0x89: {  	s3 =	sld [smem:$0x3FFE];
	_ =	sdelay $0x1  }
0x8a: {  	s1 =	srdreg.scid  }
0x8b: {  	s0 =	sand.u32 $0x1, s1  }
0x8c: {  	s17 =	sshll.u32 s0, $0xA;
	s2 =	sadd.s32 s3, s2  }
0x8d: {  	s2 =	sadd.s32 s2, s17  }
0x8e: {  	[smem:$0x3FC4] =	sst s2  }
0x8f: {  	_ = 	snop  }
0x90: {  	s2 =	sld [smem:$0x3FC9];
	(tm) =	ssettm $0x1  }
0x91: {  	s18 =	sld [smem:$0x3FFB];
	_ =	sdelay $0x3  }
0x92: {  	_ =	strace s18  }
0x93: {  	s3 =	sld [smem:$0x3FFC];
	_ =	sdelay $0x3  }
0x94: {  	_ =	strace s3  }
0x95: {  	s3 =	sld [smem:$0x3FFD];
	_ =	sdelay $0x3  }
0x96: {  	_ =	strace s3  }
0x97: {  	_ =	strace $0x8FFFFFFF  }
0x98: {  	s19 =	sld [smem:$0x3FDB];
	_ =	sdelay $0x1  }
0x99: {  	s4 =	simm.s32 $_scs_section_size  }
0x9a: {  	s5 =	simm.s32 $_size__tile_overlayer_lowered;
	s6 =	simm.s32 $_tile_overlayer_lowered  }
0x9b: {  	s22 =	simm.s32 $0x1BFF;
	s21 =	sshll.u32 s6, $0x1;
	s3 =	sadd.s32 s4, s19  }
0x9c: {  	s7 =	simm.s32 $0x0;
	s20 =	sshll.u32 s5, $0x1;
	s5 =	sadd.s32 s21, s3  }
0x9d: {  	[timem:s7], [sflag:s22] =	dma.local [hbm:s5], s20  }
0x9e: {  	_ =	swait.ge [sflag:s22], s20  }
0x9f: {  	s4 =	ssub.s32 $0x0, s20;
	[sflag:s22] =	ssyncset.done $0x0  }
0xa0: {  	[sflag:s22] =	ssyncadd.s32 s4;
	_ =	sdelay $0x1  }
0xa1: {  	s23 =	simm.s32 $0x1B8B  }
0xa2: {  	_ =	swait.ge [sflag:s23], $0x1  }
0xa3: {  	[sflag:s23] =	ssyncset.done $0x0  }
0xa4: {  	s25 =	simm.s32 $0x1B8E;
	s24 =	sld [smem:$0x3FFE];
	[sflag:s23] =	ssyncadd.s32 $0xFFFFFFFF  }
0xa5: {  	s26 =	simm.s32 $execute0_lowered;
	[smem:$0x3FD2] =	sst s25  }
0xa6: {  	s5 =	sshll.u32 s26, $0x1;
	_ =	strace $0x80000046;
	[dreg:$0x1] =	wrdreg $0xFFFFFFFF  }
0xa7: {  	s28 =	simm.s32 $_size_execute0_lowered;
	s3 =	sadd.s32 s3, s5;
	[dreg:$0x0] =	wrdreg $0x0  }
0xa8: {  	s5 =	sshll.u32 s28, $0x1;
	[dreg:$0x2] =	wrdreg s3  }
0xa9: {  	[dreg:$0x3] =	wrdreg s5  }
0xaa: {  	[dreg:$0x4] =	wrdreg $0xC0  }
0xab: {  	_ =	task [dreg:s7], $0x5FFFF  }
0xac: {  	[dreg:$0x1] =	wrdreg $0xFFFFFFFF  }
0xad: {  	[dreg:$0x0] =	wrdreg $0x60  }
0xae: {  	[dreg:$0x2] =	wrdreg s2  }
0xaf: {  	[dreg:$0x3] =	wrdreg s24  }
0xb0: {  	[dreg:$0x4] =	wrdreg $0x9  }
0xb1: {  	_ =	task.clear_ibuf [dreg:s7], $0x5FFFF;
	_ =	strace $0x90000046  }
0xb2: {  	s29 =	simm.s32 $0x9;
	_ =	strace $0x80000048  }
0xb3: {  	_ =	swait.ge [sflag:s29], $0x1  }
0xb4: {  	[sflag:s29] =	ssyncadd.s32 $0xFFFFFFFF  }
0xb5: {  	_ =	strace $0x90000048  }
0xb6: {  	_ =	sfence  }
0xb7: {  	s30 =	sld [smem:$0x0];
	_ =	sdelay $0x2  }
0xb8: {  	s31 =	sshll.u32 s1, $0xD;
	s1 =	sshrl.u32 s1, $0x2  }
0xb9: {  	s3 =	sand.u32 $0x4000, s31;
	s1 =	sadd.s32 s1, s30  }
0xba: {  	s0 =	sor.u32 s3, s0;
	s1 =	sshll.u32 s1, $0x11  }
0xbb: {  	s0 =	sor.u32 s1, s0  }
0xbc: {  	s0 =	sadd.s32 $0x8F2B, s0  }
0xbd: {  	[sflag:s0] =	ssyncadd.remote.s32 $0x1  }
0xbe: {  	_ =	sfence.sel $0xFFFF  }
0xbf: {  	[dreg:$0x0] =	wrdreg $0xFFFFFFFF;
	(pc) =	sbr.abs _section_cstart, $3  }
0xc0: {  	[dreg:$0x1] =	wrdreg $0xFFFFFFFF  }
0xc1: {  	_ =	task.clear_ibuf [dreg:s7], $0x2FFFF;
	_ =	strace $0x9FFFFFFF  }
0xc2: {  	(tm) =	ssettm $0x7FFFFFFF  }
0xc3: {  	_ =	shalt  }
tec
execute0_lowered:
.L_overlay_start_1:
0x0: {  	(tag) =	ssettag $0x1  }
0x1: {  	s3 =	rddreg [dreg:$0x0]  }
0x2: {  	s4 =	rddreg [dreg:$0x1]  }
0x3: {  	s0 =	rddreg [dreg:$0x2];
	s5 =	srdreg.scid  }
0x4: {  	s2 =	simm.s32 $0x0;
	s1 =	stileid.u32;
	s9 =	simm.s32 $0x800  }
0x5: {  	s10 =	simm.s32 $0x1;
	s11 =	simm.s32 $0xC00;
	s5 =	sand.u32 $0x1, s5  }
0x6: {  	s12 =	simm.s32 $0x0;
	s6 =	sshll.u32 s1, $0x8;
	s7 =	sshll.u32 s5, $0x7  }
0x7: {  	[smem:$0x7FF] =	sst s2;
	s5 =	ssub.s32 $0x2, s5;
	s6 =	sor.u32 s7, s6  }
0x8: {  	_ =	strace $0x80000047;
	s8 =	sshrl.u32 s5, $0x1;
	s7 =	sshll.u32 s6, $0x4  }
0x9: {  	s6 =	sadd.s32 s6, s3;
	s8 =	ssub.s32 s5, s8;
	s7 =	sadd.s32 s7, s4  }
0xa: {  	v1 =	vlaneseq.u32;
	s3 =	sadd.s32 $0x3000, s6;
	s4 =	sadd.s32 $0xB000, s6;
	s6 =	smax.u32 s8, $0x1  }
0xb: {  	v0 =	vimm.f32 $0.0e+00;
	v2 =	vimm.f32 $1.000000000e+00;
	v1 =	vmul.u32 $0x80, v1;
	s8 =	simm.s32 $0x20000;
	s5 =	sadd.s32 $0x1400, s7;
	s7 =	simm.s32 $0x400  }
.LBB2_1:
0xc: {  	[tilespmem:s2], [sflag:$0x1] =	stream.strided.gather [hbm4b:s3+s7], $0x800, s8, s7, $0x38;
	[tilespmem:$0x4C00] =	vst v63  }
0xd: {  	_ = 	snop  }
0xe: {  	[tilespmem:s9], [sflag:$0x1] =	stream.linear.gather [hbm4b:s4+s2], $0x200, $0x38;
	[tilespmem:$0x4C00] =	vst v63  }
0xf: {  	_ =	swait.ge [sflag:s10], $0xA00  }
0x10: {  	[sflag:s10] =	ssyncset.done $0x0  }
0x11: {  	s13 =	simm.s32 $0x1400;
	[sflag:s10] =	ssyncadd.s32 $0xFFFFF600  }
0x12: {  	[tilespmem:s13+$0x780] =	vst v0  }
0x13: {  	[tilespmem:s13+$0x700] =	vst v0  }
0x14: {  	[tilespmem:s13+$0x680] =	vst v0  }
0x15: {  	[tilespmem:s13+$0x600] =	vst v0  }
0x16: {  	[tilespmem:s13+$0x580] =	vst v0  }
0x17: {  	[tilespmem:s13+$0x500] =	vst v0  }
0x18: {  	[tilespmem:s13+$0x480] =	vst v0  }
0x19: {  	[tilespmem:s13+$0x400] =	vst v0  }
0x1a: {  	[tilespmem:s13+$0x380] =	vst v0  }
0x1b: {  	[tilespmem:s13+$0x300] =	vst v0  }
0x1c: {  	[tilespmem:s13+$0x280] =	vst v0  }
0x1d: {  	[tilespmem:s13+$0x200] =	vst v0  }
0x1e: {  	[tilespmem:s13+$0x180] =	vst v0  }
0x1f: {  	[tilespmem:s13+$0x100] =	vst v0  }
0x20: {  	[tilespmem:s13+$0x80] =	vst v0  }
0x21: {  	[tilespmem:s13+$0x0] =	vst v0  }
0x22: {  	s15 =	simm.s32 $0x500;
	[tilespmem:s13+$0xFFFFFF00] =	vst v0  }
0x23: {  	[tilespmem:s13+$0xFFFFFB80] =	vst v0;
	v3 =	vld [tilespmem:s15+$0xFFFFFB10]  }
0x24: {  	[tilespmem:s13+$0xFFFFFA80] =	vst v0  }
0x25: {  	s14 =	simm.s32 $0x10;
	[tilespmem:s13+$0xFFFFF980] =	vst v0  }
0x26: {  	v4 =	vmov s14;
	[tilespmem:s13+$0xFFFFFF80] =	vst v0  }
0x27: {  	v4 =	vshll.u32 v4, $0x7;
	[tilespmem:s13+$0xFFFFFE80] =	vst v0  }
0x28: {  	v7 =	vor.u32 v1, v4;
	[tilespmem:s13+$0xFFFFFD80] =	vst v0;
	v5 =	vand.u32 $0xFFFFFF80, v3  }
0x29: {  	[tilespmem:s13+$0xFFFFFC80] =	vst v0;
	v3 =	vand.u32 $0x7F, v3;
	v4 =	vadd.s32 v7, v5  }
0x2a: {  	[tilespmem:s13+$0xFFFFFE00] =	vst v0;
	v3 =	vor.u32 v3, v4  }
0x2b: {  	[tilespmem:s13+$0xFFFFFD00] =	vst v0  }
0x2c: {  	[tilespmem:s13+$0xFFFFFC00] =	vst v0  }
0x2d: {  	[tilespmem:s13+$0xFFFFFB00] =	vst v0  }
0x2e: {  	[tilespmem:s13+$0xFFFFFA00] =	vst v0  }
0x2f: {  	[tilespmem:v3+s11+$0x0] =	vst.idx.add.f32.msk $0xffff, v2  }
0x30: {  	[tilespmem:s13+$0xFFFFF900] =	vst v0;
	v3 =	vld [tilespmem:s15+$0xFFFFFB90]  }
0x31: {  	[tilespmem:s13+$0xFFFFF880] =	vst v0  }
0x32: {  	[tilespmem:s13+$0xFFFFF800] =	vst v0  }
0x33: {  	v4 =	vld [tilespmem:s15+$0xFFFFFB00];
	_ =	sdelay $0x1  }
0x34: {  	v5 =	vand.u32 $0xFFFFFF80, v3  }
0x35: {  	v6 =	vmov s2;
	v3 =	vand.u32 $0x7F, v3;
	v5 =	vadd.s32 v7, v5  }
0x36: {  	v3 =	vor.u32 v3, v5;
	v5 =	vshll.u32 v6, $0x7  }
0x37: {  	v6 =	vand.u32 $0xFFFFFF80, v4;
	v8 =	vor.u32 v1, v5  }
0x38: {  	v4 =	vand.u32 $0x7F, v4;
	v5 =	vadd.s32 v8, v6  }
0x39: {  	v4 =	vor.u32 v4, v5;
	_ =	sdelay $0x2  }
0x3a: {  	[tilespmem:v3+s11+$0x0] =	vst.idx.add.f32.msk $0xffff, v2  }
0x3b: {  	v3 =	vld [tilespmem:s15+$0xFFFFFC10]  }
0x3c: {  	[tilespmem:v4+s11+$0x0] =	vst.idx.add.f32.msk $0xffff, v2  }
0x3d: {  	v4 =	vld [tilespmem:s15+$0xFFFFFB80];
	_ =	sdelay $0x2  }
0x3e: {  	v5 =	vand.u32 $0xFFFFFF80, v3  }
0x3f: {  	v3 =	vand.u32 $0x7F, v3;
	v5 =	vadd.s32 v7, v5  }
0x40: {  	v3 =	vor.u32 v3, v5;
	v5 =	vand.u32 $0xFFFFFF80, v4  }
0x41: {  	v4 =	vand.u32 $0x7F, v4;
	v5 =	vadd.s32 v8, v5  }
0x42: {  	v4 =	vor.u32 v4, v5;
	_ =	sdelay $0x2  }
0x43: {  	[tilespmem:v3+s11+$0x0] =	vst.idx.add.f32.msk $0xffff, v2  }
0x44: {  	v3 =	vld [tilespmem:s15+$0xFFFFFC90]  }
0x45: {  	[tilespmem:v4+s11+$0x0] =	vst.idx.add.f32.msk $0xffff, v2  }
0x46: {  	v4 =	vld [tilespmem:s15+$0xFFFFFC00];
	_ =	sdelay $0x2  }
0x47: {  	v5 =	vand.u32 $0xFFFFFF80, v3  }
0x48: {  	v3 =	vand.u32 $0x7F, v3;
	v5 =	vadd.s32 v7, v5  }
0x49: {  	v3 =	vor.u32 v3, v5;
	v5 =	vand.u32 $0xFFFFFF80, v4  }
0x4a: {  	v4 =	vand.u32 $0x7F, v4;
	v5 =	vadd.s32 v8, v5  }
0x4b: {  	v4 =	vor.u32 v4, v5;
	_ =	sdelay $0x2  }
0x4c: {  	[tilespmem:v3+s11+$0x0] =	vst.idx.add.f32.msk $0xffff, v2  }
0x4d: {  	v3 =	vld [tilespmem:s15+$0xFFFFFD10]  }
0x4e: {  	[tilespmem:v4+s11+$0x0] =	vst.idx.add.f32.msk $0xffff, v2  }
0x4f: {  	v4 =	vld [tilespmem:s15+$0xFFFFFC80];
	_ =	sdelay $0x2  }
0x50: {  	v5 =	vand.u32 $0xFFFFFF80, v3  }
0x51: {  	v3 =	vand.u32 $0x7F, v3;
	v5 =	vadd.s32 v7, v5  }
0x52: {  	v3 =	vor.u32 v3, v5;
	v5 =	vand.u32 $0xFFFFFF80, v4  }
0x53: {  	v4 =	vand.u32 $0x7F, v4;
	v5 =	vadd.s32 v8, v5  }
0x54: {  	v4 =	vor.u32 v4, v5;
	_ =	sdelay $0x2  }
0x55: {  	[tilespmem:v3+s11+$0x0] =	vst.idx.add.f32.msk $0xffff, v2  }
0x56: {  	v3 =	vld [tilespmem:s15+$0xFFFFFD90]  }
0x57: {  	[tilespmem:v4+s11+$0x0] =	vst.idx.add.f32.msk $0xffff, v2  }
0x58: {  	v4 =	vld [tilespmem:s15+$0xFFFFFD00];
	_ =	sdelay $0x2  }
0x59: {  	v5 =	vand.u32 $0xFFFFFF80, v3  }
0x5a: {  	v3 =	vand.u32 $0x7F, v3;
	v5 =	vadd.s32 v7, v5  }
0x5b: {  	v3 =	vor.u32 v3, v5;
	v5 =	vand.u32 $0xFFFFFF80, v4  }
0x5c: {  	v4 =	vand.u32 $0x7F, v4;
	v5 =	vadd.s32 v8, v5  }
0x5d: {  	v4 =	vor.u32 v4, v5;
	_ =	sdelay $0x2  }
0x5e: {  	[tilespmem:v3+s11+$0x0] =	vst.idx.add.f32.msk $0xffff, v2  }
0x5f: {  	v3 =	vld [tilespmem:s15+$0xFFFFFE10]  }
0x60: {  	s30 =	simm.s32 $0x2400;
	[tilespmem:v4+s11+$0x0] =	vst.idx.add.f32.msk $0xffff, v2  }
0x61: {  	[tilespmem:s30+$0xFFFFFF00] =	vst v0;
	v4 =	vld [tilespmem:s15+$0xFFFFFD80]  }
0x62: {  	[tilespmem:s30+$0x780] =	vst v0  }
0x63: {  	[tilespmem:s30+$0x700] =	vst v0  }
0x64: {  	[tilespmem:s30+$0x680] =	vst v0;
	v5 =	vand.u32 $0xFFFFFF80, v3  }
0x65: {  	[tilespmem:s30+$0x600] =	vst v0;
	v3 =	vand.u32 $0x7F, v3;
	v5 =	vadd.s32 v7, v5  }
0x66: {  	[tilespmem:s30+$0x580] =	vst v0;
	v3 =	vor.u32 v3, v5;
	v5 =	vand.u32 $0xFFFFFF80, v4  }
0x67: {  	[tilespmem:s30+$0x500] =	vst v0;
	v4 =	vand.u32 $0x7F, v4;
	v5 =	vadd.s32 v8, v5  }
0x68: {  	[tilespmem:s30+$0x480] =	vst v0;
	v4 =	vor.u32 v4, v5  }
0x69: {  	[tilespmem:s30+$0x400] =	vst v0  }
0x6a: {  	[tilespmem:s30+$0x380] =	vst v0  }
0x6b: {  	[tilespmem:v3+s11+$0x0] =	vst.idx.add.f32.msk $0xffff, v2  }
0x6c: {  	[tilespmem:s30+$0x300] =	vst v0;
	v3 =	vld [tilespmem:s15+$0xFFFFFE90]  }
0x6d: {  	[tilespmem:v4+s11+$0x0] =	vst.idx.add.f32.msk $0xffff, v2  }
0x6e: {  	[tilespmem:s30+$0x280] =	vst v0;
	v4 =	vld [tilespmem:s15+$0xFFFFFE00]  }
0x6f: {  	[tilespmem:s30+$0x200] =	vst v0  }
0x70: {  	[tilespmem:s30+$0x180] =	vst v0  }
0x71: {  	[tilespmem:s30+$0x100] =	vst v0;
	v5 =	vand.u32 $0xFFFFFF80, v3  }
0x72: {  	[tilespmem:s30+$0x80] =	vst v0;
	v3 =	vand.u32 $0x7F, v3;
	v5 =	vadd.s32 v7, v5  }
0x73: {  	[tilespmem:s30+$0x0] =	vst v0;
	s13 =	simm.s32 $0x520;
	v3 =	vor.u32 v3, v5;
	v5 =	vand.u32 $0xFFFFFF80, v4  }
0x74: {  	[tilespmem:s30+$0xFFFFFB80] =	vst v0;
	v6 =	vld [tilespmem:s13+$0xFFFFFB10];
	v4 =	vand.u32 $0x7F, v4;
	v5 =	vadd.s32 v8, v5  }
0x75: {  	[tilespmem:s30+$0xFFFFFA80] =	vst v0;
	v4 =	vor.u32 v4, v5  }
0x76: {  	s16 =	simm.s32 $0x30;
	[tilespmem:s30+$0xFFFFF980] =	vst v0  }
0x77: {  	[tilespmem:s30+$0xFFFFFF80] =	vst v0;
	v5 =	vmov s16  }
0x78: {  	[tilespmem:v3+s11+$0x0] =	vst.idx.add.f32.msk $0xffff, v2;
	v3 =	vshll.u32 v5, $0x7  }
0x79: {  	[tilespmem:s30+$0xFFFFFE80] =	vst v0;
	v5 =	vand.u32 $0xFFFFFF80, v6;
	v3 =	vor.u32 v1, v3  }
0x7a: {  	v6 =	vand.u32 $0x7F, v6;
	v5 =	vadd.s32 v3, v5;
	[tilespmem:v4+s11+$0x0] =	vst.idx.add.f32.msk $0xffff, v2  }
0x7b: {  	[tilespmem:s30+$0xFFFFFD80] =	vst v0;
	v4 =	vor.u32 v6, v5;
	v5 =	vld [tilespmem:s15+$0xFFFFFE80]  }
0x7c: {  	[tilespmem:s30+$0xFFFFFC80] =	vst v0  }
0x7d: {  	[tilespmem:s30+$0xFFFFFE00] =	vst v0  }
0x7e: {  	[tilespmem:s30+$0xFFFFFD00] =	vst v0  }
0x7f: {  	[tilespmem:s30+$0xFFFFFC00] =	vst v0;
	v6 =	vld [tilespmem:s15+$0xFFFFFF10]  }
0x80: {  	[tilespmem:v4+s11+$0x0] =	vst.idx.add.f32.msk $0xffff, v2;
	v4 =	vand.u32 $0xFFFFFF80, v5  }
0x81: {  	[tilespmem:s30+$0xFFFFFB00] =	vst v0;
	v9 =	vld [tilespmem:s13+$0xFFFFFB90];
	v5 =	vand.u32 $0x7F, v5;
	v4 =	vadd.s32 v8, v4  }
0x82: {  	[tilespmem:s30+$0xFFFFFA00] =	vst v0;
	v4 =	vor.u32 v5, v4  }
0x83: {  	[tilespmem:s30+$0xFFFFF900] =	vst v0  }
0x84: {  	[tilespmem:s30+$0xFFFFF880] =	vst v0;
	v5 =	vand.u32 $0xFFFFFF80, v6  }
0x85: {  	[tilespmem:s30+$0xFFFFF800] =	vst v0;
	v6 =	vand.u32 $0x7F, v6;
	v5 =	vadd.s32 v7, v5  }
0x86: {  	v5 =	vor.u32 v6, v5;
	v6 =	vld [tilespmem:s13+$0xFFFFFB00];
	v10 =	vand.u32 $0xFFFFFF80, v9  }
0x87: {  	v9 =	vand.u32 $0x7F, v9;
	v10 =	vadd.s32 v3, v10;
	[tilespmem:v4+s11+$0x0] =	vst.idx.add.f32.msk $0xffff, v2  }
0x88: {  	s31 =	simm.s32 $0x20;
	v9 =	vor.u32 v9, v10;
	v10 =	vld [tilespmem:s15+$0xFFFFFF00]  }
0x89: {  	v4 =	vmov s31  }
0x8a: {  	v4 =	vshll.u32 v4, $0x7  }
0x8b: {  	[tilespmem:v5+s11+$0x0] =	vst.idx.add.f32.msk $0xffff, v2;
	v11 =	vand.u32 $0xFFFFFF80, v6;
	v4 =	vor.u32 v1, v4  }
0x8c: {  	v6 =	vand.u32 $0x7F, v6;
	v5 =	vld [tilespmem:s15+$0xFFFFFF90];
	v11 =	vadd.s32 v4, v11  }
0x8d: {  	v6 =	vor.u32 v6, v11;
	[tilespmem:v9+s11+$0x0] =	vst.idx.add.f32.msk $0xffff, v2;
	v9 =	vand.u32 $0xFFFFFF80, v10  }
0x8e: {  	v11 =	vld [tilespmem:s13+$0xFFFFFC10];
	v10 =	vand.u32 $0x7F, v10;
	v9 =	vadd.s32 v8, v9  }
0x8f: {  	v9 =	vor.u32 v10, v9;
	_ =	sdelay $0x1  }
0x90: {  	v10 =	vand.u32 $0xFFFFFF80, v5  }
0x91: {  	v5 =	vand.u32 $0x7F, v5;
	v10 =	vadd.s32 v7, v10;
	[tilespmem:v6+s11+$0x0] =	vst.idx.add.f32.msk $0xffff, v2  }
0x92: {  	v5 =	vor.u32 v5, v10;
	v6 =	vld [tilespmem:s13+$0xFFFFFB80];
	v10 =	vand.u32 $0xFFFFFF80, v11  }
0x93: {  	v11 =	vand.u32 $0x7F, v11;
	v10 =	vadd.s32 v3, v10;
	[tilespmem:v9+s11+$0x0] =	vst.idx.add.f32.msk $0xffff, v2  }
0x94: {  	v9 =	vor.u32 v11, v10;
	v10 =	vld [tilespmem:s15+$0xFFFFFF80];
	_ =	sdelay $0x2  }
0x95: {  	[tilespmem:v5+s11+$0x0] =	vst.idx.add.f32.msk $0xffff, v2;
	v11 =	vand.u32 $0xFFFFFF80, v6  }
0x96: {  	v6 =	vand.u32 $0x7F, v6;
	v5 =	vld [tilespmem:s15+$0x10];
	v11 =	vadd.s32 v4, v11  }
0x97: {  	v6 =	vor.u32 v6, v11;
	[tilespmem:v9+s11+$0x0] =	vst.idx.add.f32.msk $0xffff, v2;
	v9 =	vand.u32 $0xFFFFFF80, v10  }
0x98: {  	v11 =	vld [tilespmem:s13+$0xFFFFFC90];
	v10 =	vand.u32 $0x7F, v10;
	v9 =	vadd.s32 v8, v9  }
0x99: {  	v9 =	vor.u32 v10, v9;
	_ =	sdelay $0x1  }
0x9a: {  	v10 =	vand.u32 $0xFFFFFF80, v5  }
0x9b: {  	v5 =	vand.u32 $0x7F, v5;
	v10 =	vadd.s32 v7, v10;
	[tilespmem:v6+s11+$0x0] =	vst.idx.add.f32.msk $0xffff, v2  }
0x9c: {  	v5 =	vor.u32 v5, v10;
	v6 =	vld [tilespmem:s13+$0xFFFFFC00];
	v10 =	vand.u32 $0xFFFFFF80, v11  }
0x9d: {  	v11 =	vand.u32 $0x7F, v11;
	v10 =	vadd.s32 v3, v10;
	[tilespmem:v9+s11+$0x0] =	vst.idx.add.f32.msk $0xffff, v2  }
0x9e: {  	v9 =	vor.u32 v11, v10;
	v10 =	vld [tilespmem:s15+$0x0];
	_ =	sdelay $0x2  }
0x9f: {  	[tilespmem:v5+s11+$0x0] =	vst.idx.add.f32.msk $0xffff, v2;
	v11 =	vand.u32 $0xFFFFFF80, v6  }
0xa0: {  	v6 =	vand.u32 $0x7F, v6;
	v5 =	vld [tilespmem:s15+$0x90];
	v11 =	vadd.s32 v4, v11  }
0xa1: {  	v6 =	vor.u32 v6, v11;
	[tilespmem:v9+s11+$0x0] =	vst.idx.add.f32.msk $0xffff, v2;
	v9 =	vand.u32 $0xFFFFFF80, v10  }
0xa2: {  	v11 =	vld [tilespmem:s13+$0xFFFFFD10];
	v10 =	vand.u32 $0x7F, v10;
	v9 =	vadd.s32 v8, v9  }
0xa3: {  	v9 =	vor.u32 v10, v9;
	_ =	sdelay $0x1  }
0xa4: {  	v10 =	vand.u32 $0xFFFFFF80, v5  }
0xa5: {  	v5 =	vand.u32 $0x7F, v5;
	v10 =	vadd.s32 v7, v10;
	[tilespmem:v6+s11+$0x0] =	vst.idx.add.f32.msk $0xffff, v2  }
0xa6: {  	v5 =	vor.u32 v5, v10;
	v6 =	vld [tilespmem:s13+$0xFFFFFC80];
	v10 =	vand.u32 $0xFFFFFF80, v11  }
0xa7: {  	v11 =	vand.u32 $0x7F, v11;
	v10 =	vadd.s32 v3, v10;
	[tilespmem:v9+s11+$0x0] =	vst.idx.add.f32.msk $0xffff, v2  }
0xa8: {  	v9 =	vor.u32 v11, v10;
	v10 =	vld [tilespmem:s15+$0x80];
	_ =	sdelay $0x2  }
0xa9: {  	[tilespmem:v5+s11+$0x0] =	vst.idx.add.f32.msk $0xffff, v2;
	v11 =	vand.u32 $0xFFFFFF80, v6  }
0xaa: {  	v6 =	vand.u32 $0x7F, v6;
	v5 =	vld [tilespmem:s15+$0x110];
	v11 =	vadd.s32 v4, v11  }
0xab: {  	v6 =	vor.u32 v6, v11;
	[tilespmem:v9+s11+$0x0] =	vst.idx.add.f32.msk $0xffff, v2;
	v9 =	vand.u32 $0xFFFFFF80, v10  }
0xac: {  	v11 =	vld [tilespmem:s13+$0xFFFFFD90];
	v10 =	vand.u32 $0x7F, v10;
	v9 =	vadd.s32 v8, v9  }
0xad: {  	v9 =	vor.u32 v10, v9;
	_ =	sdelay $0x1  }
0xae: {  	v10 =	vand.u32 $0xFFFFFF80, v5  }
0xaf: {  	v5 =	vand.u32 $0x7F, v5;
	v10 =	vadd.s32 v7, v10;
	[tilespmem:v6+s11+$0x0] =	vst.idx.add.f32.msk $0xffff, v2  }
0xb0: {  	v5 =	vor.u32 v5, v10;
	v6 =	vld [tilespmem:s13+$0xFFFFFD00];
	v10 =	vand.u32 $0xFFFFFF80, v11  }
0xb1: {  	v11 =	vand.u32 $0x7F, v11;
	v10 =	vadd.s32 v3, v10;
	[tilespmem:v9+s11+$0x0] =	vst.idx.add.f32.msk $0xffff, v2  }
0xb2: {  	v9 =	vor.u32 v11, v10;
	v10 =	vld [tilespmem:s15+$0x100]  }
0xb3: {  	s14 =	simm.s32 $0x3400  }
0xb4: {  	[tilespmem:s14+$0xFFFFFF00] =	vst v0  }
0xb5: {  	[tilespmem:v5+s11+$0x0] =	vst.idx.add.f32.msk $0xffff, v2;
	v5 =	vand.u32 $0xFFFFFF80, v6  }
0xb6: {  	[tilespmem:s14+$0xFFFFFB80] =	vst v0;
	v6 =	vand.u32 $0x7F, v6;
	v5 =	vadd.s32 v4, v5  }
0xb7: {  	v5 =	vor.u32 v6, v5;
	[tilespmem:v9+s11+$0x0] =	vst.idx.add.f32.msk $0xffff, v2;
	v6 =	vand.u32 $0xFFFFFF80, v10  }
0xb8: {  	[tilespmem:s14+$0xFFFFFA80] =	vst v0;
	v9 =	vld [tilespmem:s13+$0xFFFFFE10];
	v10 =	vand.u32 $0x7F, v10;
	v6 =	vadd.s32 v8, v6  }
0xb9: {  	[tilespmem:s14+$0xFFFFF980] =	vst v0;
	v6 =	vor.u32 v10, v6  }
0xba: {  	[tilespmem:s14+$0x780] =	vst v0  }
0xbb: {  	[tilespmem:s14+$0x700] =	vst v0  }
0xbc: {  	[tilespmem:v5+s11+$0x0] =	vst.idx.add.f32.msk $0xffff, v2  }
0xbd: {  	[tilespmem:s14+$0x680] =	vst v0;
	v5 =	vld [tilespmem:s13+$0xFFFFFD80];
	v10 =	vand.u32 $0xFFFFFF80, v9  }
0xbe: {  	v9 =	vand.u32 $0x7F, v9;
	v10 =	vadd.s32 v3, v10;
	[tilespmem:v6+s11+$0x0] =	vst.idx.add.f32.msk $0xffff, v2  }
0xbf: {  	[tilespmem:s14+$0x600] =	vst v0;
	v6 =	vor.u32 v9, v10;
	v9 =	vld [tilespmem:s15+$0x180]  }
0xc0: {  	[tilespmem:s14+$0x580] =	vst v0  }
0xc1: {  	[tilespmem:s14+$0x500] =	vst v0;
	v10 =	vld [tilespmem:s15+$0x190]  }
0xc2: {  	[tilespmem:s14+$0x480] =	vst v0;
	v11 =	vand.u32 $0xFFFFFF80, v5  }
0xc3: {  	[tilespmem:s14+$0x400] =	vst v0;
	v5 =	vand.u32 $0x7F, v5;
	v11 =	vadd.s32 v4, v11  }
0xc4: {  	v5 =	vor.u32 v5, v11;
	[tilespmem:v6+s11+$0x0] =	vst.idx.add.f32.msk $0xffff, v2;
	v6 =	vand.u32 $0xFFFFFF80, v9  }
0xc5: {  	[tilespmem:s14+$0x380] =	vst v0;
	v11 =	vld [tilespmem:s13+$0xFFFFFE90];
	v9 =	vand.u32 $0x7F, v9;
	v6 =	vadd.s32 v8, v6  }
0xc6: {  	[tilespmem:s14+$0x300] =	vst v0;
	v12 =	vand.u32 $0xFFFFFF80, v10;
	v6 =	vor.u32 v9, v6  }
0xc7: {  	[tilespmem:s14+$0x280] =	vst v0;
	v9 =	vand.u32 $0x7F, v10;
	v10 =	vadd.s32 v7, v12  }
0xc8: {  	[tilespmem:s14+$0x200] =	vst v0;
	v9 =	vor.u32 v9, v10  }
0xc9: {  	[tilespmem:v5+s11+$0x0] =	vst.idx.add.f32.msk $0xffff, v2  }
0xca: {  	[tilespmem:s14+$0x180] =	vst v0;
	v5 =	vld [tilespmem:s13+$0xFFFFFE00];
	v10 =	vand.u32 $0xFFFFFF80, v11  }
0xcb: {  	v11 =	vand.u32 $0x7F, v11;
	v10 =	vadd.s32 v3, v10;
	[tilespmem:v6+s11+$0x0] =	vst.idx.add.f32.msk $0xffff, v2  }
0xcc: {  	[tilespmem:s14+$0x100] =	vst v0;
	v6 =	vor.u32 v11, v10;
	v10 =	vld [tilespmem:s15+$0x200]  }
0xcd: {  	[tilespmem:v9+s11+$0x0] =	vst.idx.add.f32.msk $0xffff, v2  }
0xce: {  	[tilespmem:s14+$0x80] =	vst v0;
	v9 =	vld [tilespmem:s15+$0x210]  }
0xcf: {  	[tilespmem:s14+$0x0] =	vst v0;
	s16 =	simm.s32 $0x540;
	v11 =	vand.u32 $0xFFFFFF80, v5  }
0xd0: {  	[tilespmem:s14+$0xFFFFFF80] =	vst v0;
	v12 =	vld [tilespmem:s16+$0xFFFFFB10];
	v5 =	vand.u32 $0x7F, v5;
	v11 =	vadd.s32 v4, v11  }
0xd1: {  	v11 =	vor.u32 v5, v11;
	[tilespmem:v6+s11+$0x0] =	vst.idx.add.f32.msk $0xffff, v2;
	v5 =	vand.u32 $0xFFFFFF80, v10  }
0xd2: {  	s17 =	simm.s32 $0x50;
	[tilespmem:s14+$0xFFFFFE80] =	vst v0;
	v6 =	vld [tilespmem:s13+$0xFFFFFF10];
	v10 =	vand.u32 $0x7F, v10;
	v5 =	vadd.s32 v8, v5  }
0xd3: {  	v13 =	vmov s17;
	[tilespmem:s14+$0xFFFFFD80] =	vst v0;
	v10 =	vor.u32 v10, v5;
	v5 =	vand.u32 $0xFFFFFF80, v9  }
0xd4: {  	v13 =	vshll.u32 v13, $0x7;
	[tilespmem:s14+$0xFFFFFC80] =	vst v0;
	v9 =	vand.u32 $0x7F, v9;
	v14 =	vadd.s32 v7, v5  }
0xd5: {  	[tilespmem:s14+$0xFFFFFE00] =	vst v0;
	v15 =	vand.u32 $0xFFFFFF80, v12;
	v5 =	vor.u32 v1, v13;
	v9 =	vor.u32 v9, v14  }
0xd6: {  	v12 =	vand.u32 $0x7F, v12;
	[tilespmem:v11+s11+$0x0] =	vst.idx.add.f32.msk $0xffff, v2;
	v13 =	vadd.s32 v5, v15  }
0xd7: {  	[tilespmem:s14+$0xFFFFFD00] =	vst v0;
	v11 =	vor.u32 v12, v13;
	v12 =	vld [tilespmem:s13+$0xFFFFFE80];
	v13 =	vand.u32 $0xFFFFFF80, v6  }
0xd8: {  	v6 =	vand.u32 $0x7F, v6;
	v13 =	vadd.s32 v3, v13;
	[tilespmem:v10+s11+$0x0] =	vst.idx.add.f32.msk $0xffff, v2  }
0xd9: {  	[tilespmem:s14+$0xFFFFFC00] =	vst v0;
	v6 =	vor.u32 v6, v13;
	v10 =	vld [tilespmem:s15+$0x280]  }
0xda: {  	[tilespmem:v9+s11+$0x0] =	vst.idx.add.f32.msk $0xffff, v2  }
0xdb: {  	[tilespmem:s14+$0xFFFFFB00] =	vst v0;
	v9 =	vld [tilespmem:s15+$0x290]  }
0xdc: {  	[tilespmem:v11+s11+$0x0] =	vst.idx.add.f32.msk $0xffff, v2;
	v11 =	vand.u32 $0xFFFFFF80, v12  }
0xdd: {  	[tilespmem:s14+$0xFFFFFA00] =	vst v0;
	v12 =	vand.u32 $0x7F, v12;
	v13 =	vld [tilespmem:s16+$0xFFFFFB90];
	v11 =	vadd.s32 v4, v11  }
0xde: {  	v11 =	vor.u32 v12, v11;
	[tilespmem:v6+s11+$0x0] =	vst.idx.add.f32.msk $0xffff, v2;
	v6 =	vand.u32 $0xFFFFFF80, v10  }
0xdf: {  	[tilespmem:s14+$0xFFFFF900] =	vst v0;
	v12 =	vld [tilespmem:s13+$0xFFFFFF90];
	v10 =	vand.u32 $0x7F, v10;
	v6 =	vadd.s32 v8, v6  }
0xe0: {  	[tilespmem:s14+$0xFFFFF880] =	vst v0;
	v6 =	vor.u32 v10, v6;
	v10 =	vand.u32 $0xFFFFFF80, v9  }
0xe1: {  	[tilespmem:s14+$0xFFFFF800] =	vst v0;
	v9 =	vand.u32 $0x7F, v9;
	v10 =	vadd.s32 v7, v10  }
0xe2: {  	v14 =	vld [tilespmem:s16+$0xFFFFFB00];
	v15 =	vand.u32 $0xFFFFFF80, v13;
	v9 =	vor.u32 v9, v10  }
0xe3: {  	v10 =	vand.u32 $0x7F, v13;
	v13 =	vadd.s32 v5, v15;
	[tilespmem:v11+s11+$0x0] =	vst.idx.add.f32.msk $0xffff, v2  }
0xe4: {  	s17 =	simm.s32 $0x40;
	v10 =	vor.u32 v10, v13;
	v11 =	vld [tilespmem:s13+$0xFFFFFF00];
	v13 =	vand.u32 $0xFFFFFF80, v12  }
0xe5: {  	v15 =	vmov s17;
	v12 =	vand.u32 $0x7F, v12;
	v13 =	vadd.s32 v3, v13;
	[tilespmem:v6+s11+$0x0] =	vst.idx.add.f32.msk $0xffff, v2  }
0xe6: {  	v6 =	vshll.u32 v15, $0x7;
	v12 =	vor.u32 v12, v13;
	v13 =	vld [tilespmem:s15+$0x300]  }
0xe7: {  	v15 =	vand.u32 $0xFFFFFF80, v14;
	v6 =	vor.u32 v1, v6;
	[tilespmem:v9+s11+$0x0] =	vst.idx.add.f32.msk $0xffff, v2  }
0xe8: {  	v9 =	vand.u32 $0x7F, v14;
	v14 =	vadd.s32 v6, v15;
	v15 =	vld [tilespmem:s15+$0x310]  }
0xe9: {  	v9 =	vor.u32 v9, v14;
	[tilespmem:v10+s11+$0x0] =	vst.idx.add.f32.msk $0xffff, v2;
	v10 =	vand.u32 $0xFFFFFF80, v11  }
0xea: {  	v11 =	vand.u32 $0x7F, v11;
	v14 =	vld [tilespmem:s16+$0xFFFFFC10];
	v10 =	vadd.s32 v4, v10  }
0xeb: {  	v10 =	vor.u32 v11, v10;
	[tilespmem:v12+s11+$0x0] =	vst.idx.add.f32.msk $0xffff, v2;
	v11 =	vand.u32 $0xFFFFFF80, v13  }
0xec: {  	v12 =	vld [tilespmem:s13+$0x10];
	v13 =	vand.u32 $0x7F, v13;
	v11 =	vadd.s32 v8, v11  }
0xed: {  	v11 =	vor.u32 v13, v11;
	v13 =	vand.u32 $0xFFFFFF80, v15  }
0xee: {  	v15 =	vand.u32 $0x7F, v15;
	[tilespmem:v9+s11+$0x0] =	vst.idx.add.f32.msk $0xffff, v2;
	v9 =	vadd.s32 v7, v13  }
0xef: {  	v13 =	vld [tilespmem:s16+$0xFFFFFB80];
	v16 =	vand.u32 $0xFFFFFF80, v14;
	v9 =	vor.u32 v15, v9  }
0xf0: {  	v14 =	vand.u32 $0x7F, v14;
	v15 =	vadd.s32 v5, v16;
	[tilespmem:v10+s11+$0x0] =	vst.idx.add.f32.msk $0xffff, v2  }
0xf1: {  	v10 =	vor.u32 v14, v15;
	v14 =	vld [tilespmem:s13+$0xFFFFFF80];
	v15 =	vand.u32 $0xFFFFFF80, v12  }
0xf2: {  	v12 =	vand.u32 $0x7F, v12;
	v15 =	vadd.s32 v3, v15;
	[tilespmem:v11+s11+$0x0] =	vst.idx.add.f32.msk $0xffff, v2  }
0xf3: {  	v11 =	vor.u32 v12, v15;
	v12 =	vld [tilespmem:s15+$0x380]  }
0xf4: {  	v15 =	vand.u32 $0xFFFFFF80, v13;
	[tilespmem:v9+s11+$0x0] =	vst.idx.add.f32.msk $0xffff, v2  }
0xf5: {  	v9 =	vand.u32 $0x7F, v13;
	v13 =	vadd.s32 v6, v15;
	v15 =	vld [tilespmem:s15+$0x390]  }
0xf6: {  	v9 =	vor.u32 v9, v13;
	[tilespmem:v10+s11+$0x0] =	vst.idx.add.f32.msk $0xffff, v2;
	v10 =	vand.u32 $0xFFFFFF80, v14  }
0xf7: {  	v14 =	vand.u32 $0x7F, v14;
	v13 =	vld [tilespmem:s16+$0xFFFFFC90];
	v10 =	vadd.s32 v4, v10  }
0xf8: {  	v10 =	vor.u32 v14, v10;
	[tilespmem:v11+s11+$0x0] =	vst.idx.add.f32.msk $0xffff, v2;
	v11 =	vand.u32 $0xFFFFFF80, v12  }
0xf9: {  	v14 =	vld [tilespmem:s13+$0x90];
	v12 =	vand.u32 $0x7F, v12;
	v11 =	vadd.s32 v8, v11  }
0xfa: {  	v11 =	vor.u32 v12, v11;
	v12 =	vand.u32 $0xFFFFFF80, v15  }
0xfb: {  	v15 =	vand.u32 $0x7F, v15;
	[tilespmem:v9+s11+$0x0] =	vst.idx.add.f32.msk $0xffff, v2;
	v9 =	vadd.s32 v7, v12  }
0xfc: {  	v12 =	vld [tilespmem:s16+$0xFFFFFC00];
	v61 =	vand.u32 $0xFFFFFF80, v13;
	v9 =	vor.u32 v15, v9  }
0xfd: {  	v13 =	vand.u32 $0x7F, v13;
	v15 =	vadd.s32 v5, v61;
	[tilespmem:v10+s11+$0x0] =	vst.idx.add.f32.msk $0xffff, v2  }
0xfe: {  	v10 =	vor.u32 v13, v15;
	v13 =	vld [tilespmem:s13+$0x0];
	v15 =	vand.u32 $0xFFFFFF80, v14  }
0xff: {  	v14 =	vand.u32 $0x7F, v14;
	v15 =	vadd.s32 v3, v15;
	[tilespmem:v11+s11+$0x0] =	vst.idx.add.f32.msk $0xffff, v2  }
0x100: {  	v11 =	vor.u32 v14, v15;
	v14 =	vld [tilespmem:s15+$0x400]  }
0x101: {  	v15 =	vand.u32 $0xFFFFFF80, v12;
	[tilespmem:v9+s11+$0x0] =	vst.idx.add.f32.msk $0xffff, v2  }
0x102: {  	v9 =	vand.u32 $0x7F, v12;
	v12 =	vadd.s32 v6, v15;
	v15 =	vld [tilespmem:s15+$0x410]  }
0x103: {  	v9 =	vor.u32 v9, v12;
	[tilespmem:v10+s11+$0x0] =	vst.idx.add.f32.msk $0xffff, v2;
	v10 =	vand.u32 $0xFFFFFF80, v13  }
0x104: {  	v13 =	vand.u32 $0x7F, v13;
	v12 =	vld [tilespmem:s16+$0xFFFFFD10];
	v10 =	vadd.s32 v4, v10  }
0x105: {  	v10 =	vor.u32 v13, v10;
	[tilespmem:v11+s11+$0x0] =	vst.idx.add.f32.msk $0xffff, v2;
	v11 =	vand.u32 $0xFFFFFF80, v14  }
0x106: {  	v13 =	vld [tilespmem:s13+$0x110];
	v14 =	vand.u32 $0x7F, v14;
	v11 =	vadd.s32 v8, v11  }
0x107: {  	v11 =	vor.u32 v14, v11;
	v14 =	vand.u32 $0xFFFFFF80, v15  }
0x108: {  	v15 =	vand.u32 $0x7F, v15;
	[tilespmem:v9+s11+$0x0] =	vst.idx.add.f32.msk $0xffff, v2;
	v9 =	vadd.s32 v7, v14  }
0x109: {  	v14 =	vld [tilespmem:s16+$0xFFFFFC80];
	v62 =	vand.u32 $0xFFFFFF80, v12;
	v9 =	vor.u32 v15, v9  }
0x10a: {  	v12 =	vand.u32 $0x7F, v12;
	v15 =	vadd.s32 v5, v62;
	[tilespmem:v10+s11+$0x0] =	vst.idx.add.f32.msk $0xffff, v2  }
0x10b: {  	v10 =	vor.u32 v12, v15;
	v12 =	vld [tilespmem:s13+$0x80];
	v15 =	vand.u32 $0xFFFFFF80, v13  }
0x10c: {  	v13 =	vand.u32 $0x7F, v13;
	v15 =	vadd.s32 v3, v15;
	[tilespmem:v11+s11+$0x0] =	vst.idx.add.f32.msk $0xffff, v2  }
0x10d: {  	v11 =	vor.u32 v13, v15;
	v13 =	vld [tilespmem:s15+$0x480]  }
0x10e: {  	v15 =	vand.u32 $0xFFFFFF80, v14;
	[tilespmem:v9+s11+$0x0] =	vst.idx.add.f32.msk $0xffff, v2  }
0x10f: {  	v9 =	vand.u32 $0x7F, v14;
	v14 =	vadd.s32 v6, v15;
	v15 =	vld [tilespmem:s15+$0x490]  }
0x110: {  	v14 =	vor.u32 v9, v14;
	[tilespmem:v10+s11+$0x0] =	vst.idx.add.f32.msk $0xffff, v2;
	v9 =	vand.u32 $0xFFFFFF80, v12  }
0x111: {  	v12 =	vand.u32 $0x7F, v12;
	v10 =	vld [tilespmem:s16+$0xFFFFFD90];
	v9 =	vadd.s32 v4, v9  }
0x112: {  	v63 =	vor.u32 v12, v9;
	[tilespmem:v11+s11+$0x0] =	vst.idx.add.f32.msk $0xffff, v2;
	v11 =	vand.u32 $0xFFFFFF80, v13  }
0x113: {  	v9 =	vld [tilespmem:s13+$0x190];
	v12 =	vand.u32 $0x7F, v13;
	v8 =	vadd.s32 v8, v11  }
0x114: {  	v8 =	vor.u32 v12, v8;
	v11 =	vand.u32 $0xFFFFFF80, v15  }
0x115: {  	[tilespmem:v14+s11+$0x0] =	vst.idx.add.f32.msk $0xffff, v2;
	v13 =	vand.u32 $0x7F, v15;
	v7 =	vadd.s32 v7, v11  }
0x116: {  	v12 =	vld [tilespmem:s16+$0xFFFFFD00];
	v14 =	vand.u32 $0xFFFFFF80, v10;
	v7 =	vor.u32 v13, v7  }
0x117: {  	v10 =	vand.u32 $0x7F, v10;
	v11 =	vadd.s32 v5, v14;
	[tilespmem:v63+s11+$0x0] =	vst.idx.add.f32.msk $0xffff, v2  }
0x118: {  	s18 =	simm.s32 $0x4;
	s15 =	simm.s32 $0x540;
	v13 =	vor.u32 v10, v11;
	v11 =	vld [tilespmem:s13+$0x100];
	v10 =	vand.u32 $0xFFFFFF80, v9  }
.LBB2_2:
0x119: {  	s18 =	sadd.s32 $0x2, s18;
	s14 =	sadd.s32 $0x1000, s14;
	[tilespmem:v8+s11+$0x0] =	vst.idx.add.f32.msk $0xffff, v2  }
0x11a: {  	[tilespmem:s14+$0xFFFFFF00] =	vst v0;
	p0 =	slt.u32 s18, $0x6  }
0x11b: {  	v8 =	vand.u32 $0xFFFFFF80, v12;
	[tilespmem:v7+s11+$0x0] =	vst.idx.add.f32.msk $0xffff, v2  }
0x11c: {  	v7 =	vand.u32 $0x7F, v12;
	[tilespmem:s14+$0xFFFFFB80] =	vst v0;
	v8 =	vadd.s32 v6, v8  }
0x11d: {  	v7 =	vor.u32 v7, v8;
	[tilespmem:v13+s11+$0x0] =	vst.idx.add.f32.msk $0xffff, v2;
	v8 =	vand.u32 $0xFFFFFF80, v11  }
0x11e: {  	v11 =	vand.u32 $0x7F, v11;
	[tilespmem:s14+$0xFFFFFA80] =	vst v0;
	v12 =	vld [tilespmem:s16+$0xFFFFFE10];
	v8 =	vadd.s32 v4, v8  }
0x11f: {  	[tilespmem:s14+$0xFFFFF980] =	vst v0;
	v8 =	vor.u32 v11, v8  }
0x120: {  	[tilespmem:s14+$0x780] =	vst v0  }
0x121: {  	[tilespmem:s14+$0x700] =	vst v0  }
0x122: {  	[tilespmem:v7+s11+$0x0] =	vst.idx.add.f32.msk $0xffff, v2  }
0x123: {  	[tilespmem:s14+$0x680] =	vst v0;
	v7 =	vld [tilespmem:s16+$0xFFFFFD80];
	v11 =	vand.u32 $0xFFFFFF80, v12  }
0x124: {  	v12 =	vand.u32 $0x7F, v12;
	v11 =	vadd.s32 v5, v11;
	[tilespmem:v8+s11+$0x0] =	vst.idx.add.f32.msk $0xffff, v2  }
0x125: {  	[tilespmem:s14+$0x600] =	vst v0;
	v8 =	vor.u32 v12, v11;
	v11 =	vld [tilespmem:s13+$0x180]  }
0x126: {  	[tilespmem:s14+$0x580] =	vst v0  }
0x127: {  	[tilespmem:s14+$0x500] =	vst v0  }
0x128: {  	[tilespmem:s14+$0x480] =	vst v0;
	v12 =	vand.u32 $0xFFFFFF80, v7  }
0x129: {  	v7 =	vand.u32 $0x7F, v7;
	[tilespmem:s14+$0x400] =	vst v0;
	v12 =	vadd.s32 v6, v12  }
0x12a: {  	v9 =	vand.u32 $0x7F, v9;
	v7 =	vor.u32 v7, v12;
	[tilespmem:v8+s11+$0x0] =	vst.idx.add.f32.msk $0xffff, v2;
	v8 =	vand.u32 $0xFFFFFF80, v11  }
0x12b: {  	v10 =	vadd.s32 v3, v10;
	v11 =	vand.u32 $0x7F, v11;
	[tilespmem:s14+$0x380] =	vst v0;
	v12 =	vld [tilespmem:s16+$0xFFFFFE90];
	v8 =	vadd.s32 v4, v8  }
0x12c: {  	v9 =	vor.u32 v9, v10;
	[tilespmem:s14+$0x300] =	vst v0;
	v8 =	vor.u32 v11, v8  }
0x12d: {  	[tilespmem:s14+$0x280] =	vst v0  }
0x12e: {  	[tilespmem:s14+$0x200] =	vst v0  }
0x12f: {  	[tilespmem:v7+s11+$0x0] =	vst.idx.add.f32.msk $0xffff, v2  }
0x130: {  	[tilespmem:s14+$0x180] =	vst v0;
	v7 =	vld [tilespmem:s16+$0xFFFFFE00];
	v10 =	vand.u32 $0xFFFFFF80, v12  }
0x131: {  	v11 =	vand.u32 $0x7F, v12;
	v10 =	vadd.s32 v5, v10;
	[tilespmem:v8+s11+$0x0] =	vst.idx.add.f32.msk $0xffff, v2  }
0x132: {  	[tilespmem:s14+$0x100] =	vst v0;
	v8 =	vor.u32 v11, v10;
	v10 =	vld [tilespmem:s13+$0x200]  }
0x133: {  	[tilespmem:v9+s11+$0x0] =	vst.idx.add.f32.msk $0xffff, v2  }
0x134: {  	[tilespmem:s14+$0x80] =	vst v0;
	v9 =	vld [tilespmem:s13+$0x210]  }
0x135: {  	s16 =	sadd.s32 $0x20, s16;
	[tilespmem:s14+$0x0] =	vst v0;
	v11 =	vand.u32 $0xFFFFFF80, v7  }
0x136: {  	v7 =	vand.u32 $0x7F, v7;
	[tilespmem:s14+$0xFFFFFF80] =	vst v0;
	v12 =	vld [tilespmem:s16+$0xFFFFFB10];
	v11 =	vadd.s32 v6, v11  }
0x137: {  	s17 =	sadd.s32 $0x20, s17;
	v11 =	vor.u32 v7, v11;
	[tilespmem:v8+s11+$0x0] =	vst.idx.add.f32.msk $0xffff, v2;
	v7 =	vand.u32 $0xFFFFFF80, v10  }
0x138: {  	s19 =	sadd.s32 $0x10, s17;
	v10 =	vand.u32 $0x7F, v10;
	[tilespmem:s14+$0xFFFFFE80] =	vst v0;
	v8 =	vld [tilespmem:s15+$0xFFFFFF10];
	v7 =	vadd.s32 v4, v7  }
0x139: {  	v13 =	vmov s19;
	[tilespmem:s14+$0xFFFFFD80] =	vst v0;
	v10 =	vor.u32 v10, v7;
	v7 =	vand.u32 $0xFFFFFF80, v9  }
0x13a: {  	v13 =	vshll.u32 v13, $0x7;
	v9 =	vand.u32 $0x7F, v9;
	[tilespmem:s14+$0xFFFFFC80] =	vst v0;
	v14 =	vadd.s32 v3, v7  }
0x13b: {  	v7 =	vor.u32 v1, v13;
	[tilespmem:s14+$0xFFFFFE00] =	vst v0;
	v15 =	vand.u32 $0xFFFFFF80, v12;
	v9 =	vor.u32 v9, v14  }
0x13c: {  	v12 =	vand.u32 $0x7F, v12;
	v13 =	vadd.s32 v7, v15;
	[tilespmem:v11+s11+$0x0] =	vst.idx.add.f32.msk $0xffff, v2  }
0x13d: {  	[tilespmem:s14+$0xFFFFFD00] =	vst v0;
	v11 =	vor.u32 v12, v13;
	v12 =	vld [tilespmem:s15+$0xFFFFFE80];
	v13 =	vand.u32 $0xFFFFFF80, v8  }
0x13e: {  	v8 =	vand.u32 $0x7F, v8;
	v13 =	vadd.s32 v5, v13;
	[tilespmem:v10+s11+$0x0] =	vst.idx.add.f32.msk $0xffff, v2  }
0x13f: {  	[tilespmem:s14+$0xFFFFFC00] =	vst v0;
	v8 =	vor.u32 v8, v13;
	v10 =	vld [tilespmem:s13+$0x280]  }
0x140: {  	[tilespmem:v9+s11+$0x0] =	vst.idx.add.f32.msk $0xffff, v2  }
0x141: {  	[tilespmem:s14+$0xFFFFFB00] =	vst v0;
	v9 =	vld [tilespmem:s13+$0x290]  }
0x142: {  	[tilespmem:v11+s11+$0x0] =	vst.idx.add.f32.msk $0xffff, v2;
	v11 =	vand.u32 $0xFFFFFF80, v12  }
0x143: {  	v12 =	vand.u32 $0x7F, v12;
	[tilespmem:s14+$0xFFFFFA00] =	vst v0;
	v13 =	vld [tilespmem:s16+$0xFFFFFB90];
	v11 =	vadd.s32 v6, v11  }
0x144: {  	v11 =	vor.u32 v12, v11;
	[tilespmem:v8+s11+$0x0] =	vst.idx.add.f32.msk $0xffff, v2;
	v8 =	vand.u32 $0xFFFFFF80, v10  }
0x145: {  	v10 =	vand.u32 $0x7F, v10;
	[tilespmem:s14+$0xFFFFF900] =	vst v0;
	v12 =	vld [tilespmem:s15+$0xFFFFFF90];
	v8 =	vadd.s32 v4, v8  }
0x146: {  	[tilespmem:s14+$0xFFFFF880] =	vst v0;
	v8 =	vor.u32 v10, v8;
	v10 =	vand.u32 $0xFFFFFF80, v9;
	v9 =	vand.u32 $0x7F, v9  }
0x147: {  	[tilespmem:s14+$0xFFFFF800] =	vst v0;
	v10 =	vadd.s32 v3, v10  }
0x148: {  	v14 =	vld [tilespmem:s16+$0xFFFFFB00];
	v15 =	vand.u32 $0xFFFFFF80, v13;
	v13 =	vand.u32 $0x7F, v13;
	v9 =	vor.u32 v9, v10  }
0x149: {  	v10 =	vadd.s32 v7, v15;
	[tilespmem:v11+s11+$0x0] =	vst.idx.add.f32.msk $0xffff, v2  }
0x14a: {  	v10 =	vor.u32 v13, v10;
	v11 =	vld [tilespmem:s15+$0xFFFFFF00];
	v13 =	vand.u32 $0xFFFFFF80, v12;
	v12 =	vand.u32 $0x7F, v12  }
0x14b: {  	v15 =	vmov s17;
	v13 =	vadd.s32 v5, v13;
	[tilespmem:v8+s11+$0x0] =	vst.idx.add.f32.msk $0xffff, v2  }
0x14c: {  	v8 =	vshll.u32 v15, $0x7;
	v12 =	vor.u32 v12, v13;
	v13 =	vld [tilespmem:s13+$0x300]  }
0x14d: {  	v8 =	vor.u32 v1, v8;
	v15 =	vand.u32 $0xFFFFFF80, v14;
	[tilespmem:v9+s11+$0x0] =	vst.idx.add.f32.msk $0xffff, v2  }
0x14e: {  	v9 =	vand.u32 $0x7F, v14;
	v14 =	vadd.s32 v8, v15;
	v15 =	vld [tilespmem:s13+$0x310]  }
0x14f: {  	v9 =	vor.u32 v9, v14;
	[tilespmem:v10+s11+$0x0] =	vst.idx.add.f32.msk $0xffff, v2;
	v10 =	vand.u32 $0xFFFFFF80, v11  }
0x150: {  	v11 =	vand.u32 $0x7F, v11;
	v14 =	vld [tilespmem:s16+$0xFFFFFC10];
	v10 =	vadd.s32 v6, v10  }
0x151: {  	v10 =	vor.u32 v11, v10;
	[tilespmem:v12+s11+$0x0] =	vst.idx.add.f32.msk $0xffff, v2;
	v11 =	vand.u32 $0xFFFFFF80, v13  }
0x152: {  	v13 =	vand.u32 $0x7F, v13;
	v12 =	vld [tilespmem:s15+$0x10];
	v11 =	vadd.s32 v4, v11  }
0x153: {  	v11 =	vor.u32 v13, v11;
	v13 =	vand.u32 $0xFFFFFF80, v15;
	v15 =	vand.u32 $0x7F, v15  }
0x154: {  	[tilespmem:v9+s11+$0x0] =	vst.idx.add.f32.msk $0xffff, v2;
	v9 =	vadd.s32 v3, v13  }
0x155: {  	v13 =	vld [tilespmem:s16+$0xFFFFFB80];
	v16 =	vand.u32 $0xFFFFFF80, v14;
	v14 =	vand.u32 $0x7F, v14;
	v9 =	vor.u32 v15, v9  }
0x156: {  	v15 =	vadd.s32 v7, v16;
	[tilespmem:v10+s11+$0x0] =	vst.idx.add.f32.msk $0xffff, v2  }
0x157: {  	v10 =	vor.u32 v14, v15;
	v14 =	vld [tilespmem:s15+$0xFFFFFF80];
	v15 =	vand.u32 $0xFFFFFF80, v12  }
0x158: {  	v12 =	vand.u32 $0x7F, v12;
	v15 =	vadd.s32 v5, v15;
	[tilespmem:v11+s11+$0x0] =	vst.idx.add.f32.msk $0xffff, v2  }
0x159: {  	v11 =	vor.u32 v12, v15;
	v12 =	vld [tilespmem:s13+$0x380]  }
0x15a: {  	v15 =	vand.u32 $0xFFFFFF80, v13;
	[tilespmem:v9+s11+$0x0] =	vst.idx.add.f32.msk $0xffff, v2  }
0x15b: {  	v9 =	vand.u32 $0x7F, v13;
	v13 =	vadd.s32 v8, v15;
	v15 =	vld [tilespmem:s13+$0x390]  }
0x15c: {  	v9 =	vor.u32 v9, v13;
	[tilespmem:v10+s11+$0x0] =	vst.idx.add.f32.msk $0xffff, v2;
	v10 =	vand.u32 $0xFFFFFF80, v14  }
0x15d: {  	v14 =	vand.u32 $0x7F, v14;
	v13 =	vld [tilespmem:s16+$0xFFFFFC90];
	v10 =	vadd.s32 v6, v10  }
0x15e: {  	v10 =	vor.u32 v14, v10;
	[tilespmem:v11+s11+$0x0] =	vst.idx.add.f32.msk $0xffff, v2;
	v11 =	vand.u32 $0xFFFFFF80, v12  }
0x15f: {  	v12 =	vand.u32 $0x7F, v12;
	v14 =	vld [tilespmem:s15+$0x90];
	v11 =	vadd.s32 v4, v11  }
0x160: {  	v11 =	vor.u32 v12, v11;
	v12 =	vand.u32 $0xFFFFFF80, v15;
	v15 =	vand.u32 $0x7F, v15  }
0x161: {  	[tilespmem:v9+s11+$0x0] =	vst.idx.add.f32.msk $0xffff, v2;
	v9 =	vadd.s32 v3, v12  }
0x162: {  	v12 =	vld [tilespmem:s16+$0xFFFFFC00];
	v16 =	vand.u32 $0xFFFFFF80, v13;
	v9 =	vor.u32 v15, v9  }
0x163: {  	v13 =	vand.u32 $0x7F, v13;
	v15 =	vadd.s32 v7, v16;
	[tilespmem:v10+s11+$0x0] =	vst.idx.add.f32.msk $0xffff, v2  }
0x164: {  	v10 =	vor.u32 v13, v15;
	v13 =	vld [tilespmem:s15+$0x0];
	v15 =	vand.u32 $0xFFFFFF80, v14  }
0x165: {  	v14 =	vand.u32 $0x7F, v14;
	v15 =	vadd.s32 v5, v15;
	[tilespmem:v11+s11+$0x0] =	vst.idx.add.f32.msk $0xffff, v2  }
0x166: {  	v11 =	vor.u32 v14, v15;
	v14 =	vld [tilespmem:s13+$0x400]  }
0x167: {  	v15 =	vand.u32 $0xFFFFFF80, v12;
	[tilespmem:v9+s11+$0x0] =	vst.idx.add.f32.msk $0xffff, v2  }
0x168: {  	v9 =	vand.u32 $0x7F, v12;
	v12 =	vadd.s32 v8, v15;
	v15 =	vld [tilespmem:s13+$0x410]  }
0x169: {  	v9 =	vor.u32 v9, v12;
	[tilespmem:v10+s11+$0x0] =	vst.idx.add.f32.msk $0xffff, v2;
	v10 =	vand.u32 $0xFFFFFF80, v13  }
0x16a: {  	v13 =	vand.u32 $0x7F, v13;
	v12 =	vld [tilespmem:s16+$0xFFFFFD10];
	v10 =	vadd.s32 v6, v10  }
0x16b: {  	v10 =	vor.u32 v13, v10;
	[tilespmem:v11+s11+$0x0] =	vst.idx.add.f32.msk $0xffff, v2;
	v11 =	vand.u32 $0xFFFFFF80, v14  }
0x16c: {  	v14 =	vand.u32 $0x7F, v14;
	v13 =	vld [tilespmem:s15+$0x110];
	v11 =	vadd.s32 v4, v11  }
0x16d: {  	v11 =	vor.u32 v14, v11;
	v14 =	vand.u32 $0xFFFFFF80, v15;
	v15 =	vand.u32 $0x7F, v15  }
0x16e: {  	[tilespmem:v9+s11+$0x0] =	vst.idx.add.f32.msk $0xffff, v2;
	v9 =	vadd.s32 v3, v14  }
0x16f: {  	v14 =	vld [tilespmem:s16+$0xFFFFFC80];
	v16 =	vand.u32 $0xFFFFFF80, v12;
	v9 =	vor.u32 v15, v9  }
0x170: {  	v12 =	vand.u32 $0x7F, v12;
	v15 =	vadd.s32 v7, v16;
	[tilespmem:v10+s11+$0x0] =	vst.idx.add.f32.msk $0xffff, v2  }
0x171: {  	v10 =	vor.u32 v12, v15;
	v12 =	vld [tilespmem:s15+$0x80];
	v15 =	vand.u32 $0xFFFFFF80, v13  }
0x172: {  	v13 =	vand.u32 $0x7F, v13;
	v15 =	vadd.s32 v5, v15;
	[tilespmem:v11+s11+$0x0] =	vst.idx.add.f32.msk $0xffff, v2  }
0x173: {  	v11 =	vor.u32 v13, v15;
	v13 =	vld [tilespmem:s13+$0x480]  }
0x174: {  	v15 =	vand.u32 $0xFFFFFF80, v14;
	[tilespmem:v9+s11+$0x0] =	vst.idx.add.f32.msk $0xffff, v2  }
0x175: {  	v9 =	vand.u32 $0x7F, v14;
	v14 =	vadd.s32 v8, v15;
	v15 =	vld [tilespmem:s13+$0x490];
	s13 =	smov.u32 s15;
	s15 =	smov.u32 s16  }
0x176: {  	v14 =	vor.u32 v9, v14;
	[tilespmem:v10+s11+$0x0] =	vst.idx.add.f32.msk $0xffff, v2;
	v9 =	vand.u32 $0xFFFFFF80, v12  }
0x177: {  	v12 =	vand.u32 $0x7F, v12;
	v10 =	vld [tilespmem:s16+$0xFFFFFD90];
	v9 =	vadd.s32 v6, v9  }
0x178: {  	v16 =	vor.u32 v12, v9;
	[tilespmem:v11+s11+$0x0] =	vst.idx.add.f32.msk $0xffff, v2;
	v11 =	vand.u32 $0xFFFFFF80, v13  }
0x179: {  	v12 =	vand.u32 $0x7F, v13;
	v9 =	vld [tilespmem:s13+$0x190];
	v11 =	vadd.s32 v4, v11;
	v4 =	vmovc v6;
	v6 =	vmov v8  }
.Ltmp0:
0x17a: {  	v8 =	vor.u32 v12, v11;
	v11 =	vand.u32 $0xFFFFFF80, v15;
	v13 =	vand.u32 $0x7F, v15;
	(pc) =	sbr.rel @p0 .LBB2_2-.Ltmp0, $4  }
0x17b: {  	[tilespmem:v14+s11+$0x0] =	vst.idx.add.f32.msk $0xffff, v2;
	v11 =	vadd.s32 v3, v11;
	v3 =	vmov v5;
	v5 =	vmov v7  }
0x17c: {  	v12 =	vld [tilespmem:s16+$0xFFFFFD00];
	v14 =	vand.u32 $0xFFFFFF80, v10;
	v7 =	vor.u32 v13, v11  }
0x17d: {  	v10 =	vand.u32 $0x7F, v10;
	v11 =	vadd.s32 v5, v14;
	[tilespmem:v16+s11+$0x0] =	vst.idx.add.f32.msk $0xffff, v2  }
0x17e: {  	v13 =	vor.u32 v10, v11;
	v11 =	vld [tilespmem:s13+$0x100];
	v10 =	vand.u32 $0xFFFFFF80, v9  }
0x17f: {  	_ =	sdelay $0x1  }
0x180: {  	v14 =	vand.u32 $0xFFFFFF80, v12  }
0x181: {  	v35 =	vand.u32 $0x7F, v12;
	v14 =	vadd.s32 v6, v14  }
0x182: {  	v12 =	vor.u32 v35, v14;
	_ =	sdelay $0x4  }
0x183: {  	[tilespmem:v12+s11+$0x0] =	vst.idx.add.f32.msk $0xffff, v2  }
0x184: {  	v12 =	vld [tilespmem:s16+$0xFFFFFD80];
	_ =	sdelay $0x4  }
0x185: {  	v36 =	vand.u32 $0xFFFFFF80, v12  }
0x186: {  	v12 =	vand.u32 $0x7F, v12;
	v14 =	vadd.s32 v6, v36  }
0x187: {  	v12 =	vor.u32 v12, v14;
	_ =	sdelay $0x4  }
0x188: {  	[tilespmem:v12+s11+$0x0] =	vst.idx.add.f32.msk $0xffff, v2  }
0x189: {  	v12 =	vld [tilespmem:s16+$0xFFFFFE00]  }
0x18a: {  	[tilespmem:v13+s11+$0x0] =	vst.idx.add.f32.msk $0xffff, v2  }
0x18b: {  	v13 =	vld [tilespmem:s16+$0xFFFFFE10];
	_ =	sdelay $0x2  }
0x18c: {  	v37 =	vand.u32 $0xFFFFFF80, v12  }
0x18d: {  	v12 =	vand.u32 $0x7F, v12;
	v14 =	vadd.s32 v6, v37  }
0x18e: {  	v38 =	vand.u32 $0xFFFFFF80, v13;
	v12 =	vor.u32 v12, v14  }
0x18f: {  	v13 =	vand.u32 $0x7F, v13;
	v14 =	vadd.s32 v5, v38  }
0x190: {  	v13 =	vor.u32 v13, v14;
	_ =	sdelay $0x2  }
0x191: {  	[tilespmem:v12+s11+$0x0] =	vst.idx.add.f32.msk $0xffff, v2  }
0x192: {  	v12 =	vld [tilespmem:s15+$0xFFFFFE80]  }
0x193: {  	[tilespmem:v13+s11+$0x0] =	vst.idx.add.f32.msk $0xffff, v2  }
0x194: {  	v13 =	vld [tilespmem:s16+$0xFFFFFE90];
	_ =	sdelay $0x2  }
0x195: {  	v39 =	vand.u32 $0xFFFFFF80, v12  }
0x196: {  	v12 =	vand.u32 $0x7F, v12;
	v14 =	vadd.s32 v6, v39  }
0x197: {  	v40 =	vand.u32 $0xFFFFFF80, v13;
	v12 =	vor.u32 v12, v14  }
0x198: {  	v13 =	vand.u32 $0x7F, v13;
	v14 =	vadd.s32 v5, v40  }
0x199: {  	v13 =	vor.u32 v13, v14;
	_ =	sdelay $0x2  }
0x19a: {  	[tilespmem:v12+s11+$0x0] =	vst.idx.add.f32.msk $0xffff, v2  }
0x19b: {  	v12 =	vld [tilespmem:s15+$0xFFFFFF00]  }
0x19c: {  	[tilespmem:v13+s11+$0x0] =	vst.idx.add.f32.msk $0xffff, v2  }
0x19d: {  	v13 =	vld [tilespmem:s15+$0xFFFFFF10];
	_ =	sdelay $0x2  }
0x19e: {  	v41 =	vand.u32 $0xFFFFFF80, v12  }
0x19f: {  	v12 =	vand.u32 $0x7F, v12;
	v14 =	vadd.s32 v6, v41  }
0x1a0: {  	v42 =	vand.u32 $0xFFFFFF80, v13;
	v12 =	vor.u32 v12, v14  }
0x1a1: {  	v13 =	vand.u32 $0x7F, v13;
	v14 =	vadd.s32 v5, v42  }
0x1a2: {  	v13 =	vor.u32 v13, v14;
	_ =	sdelay $0x2  }
0x1a3: {  	[tilespmem:v12+s11+$0x0] =	vst.idx.add.f32.msk $0xffff, v2  }
0x1a4: {  	v12 =	vld [tilespmem:s15+$0xFFFFFF80]  }
0x1a5: {  	[tilespmem:v13+s11+$0x0] =	vst.idx.add.f32.msk $0xffff, v2  }
0x1a6: {  	v13 =	vld [tilespmem:s15+$0xFFFFFF90];
	_ =	sdelay $0x2  }
0x1a7: {  	v43 =	vand.u32 $0xFFFFFF80, v12  }
0x1a8: {  	v12 =	vand.u32 $0x7F, v12;
	v14 =	vadd.s32 v6, v43  }
0x1a9: {  	v44 =	vand.u32 $0xFFFFFF80, v13;
	v12 =	vor.u32 v12, v14  }
0x1aa: {  	v13 =	vand.u32 $0x7F, v13;
	v14 =	vadd.s32 v5, v44  }
0x1ab: {  	v13 =	vor.u32 v13, v14;
	_ =	sdelay $0x2  }
0x1ac: {  	[tilespmem:v12+s11+$0x0] =	vst.idx.add.f32.msk $0xffff, v2  }
0x1ad: {  	v12 =	vld [tilespmem:s15+$0x0]  }
0x1ae: {  	[tilespmem:v13+s11+$0x0] =	vst.idx.add.f32.msk $0xffff, v2  }
0x1af: {  	v13 =	vld [tilespmem:s15+$0x10];
	_ =	sdelay $0x2  }
0x1b0: {  	v45 =	vand.u32 $0xFFFFFF80, v12  }
0x1b1: {  	v12 =	vand.u32 $0x7F, v12;
	v14 =	vadd.s32 v6, v45  }
0x1b2: {  	v46 =	vand.u32 $0xFFFFFF80, v13;
	v12 =	vor.u32 v12, v14  }
0x1b3: {  	v13 =	vand.u32 $0x7F, v13;
	v14 =	vadd.s32 v5, v46  }
0x1b4: {  	v13 =	vor.u32 v13, v14;
	_ =	sdelay $0x2  }
0x1b5: {  	[tilespmem:v12+s11+$0x0] =	vst.idx.add.f32.msk $0xffff, v2  }
0x1b6: {  	v12 =	vld [tilespmem:s15+$0x80]  }
0x1b7: {  	[tilespmem:v13+s11+$0x0] =	vst.idx.add.f32.msk $0xffff, v2  }
0x1b8: {  	v13 =	vld [tilespmem:s15+$0x90];
	_ =	sdelay $0x2  }
0x1b9: {  	v47 =	vand.u32 $0xFFFFFF80, v12  }
0x1ba: {  	v12 =	vand.u32 $0x7F, v12;
	v14 =	vadd.s32 v6, v47  }
0x1bb: {  	v48 =	vand.u32 $0xFFFFFF80, v13;
	v12 =	vor.u32 v12, v14  }
0x1bc: {  	v13 =	vand.u32 $0x7F, v13;
	v14 =	vadd.s32 v5, v48  }
0x1bd: {  	v13 =	vor.u32 v13, v14;
	_ =	sdelay $0x2  }
0x1be: {  	[tilespmem:v12+s11+$0x0] =	vst.idx.add.f32.msk $0xffff, v2  }
0x1bf: {  	v12 =	vld [tilespmem:s15+$0x100]  }
0x1c0: {  	v49 =	vand.u32 $0xFFFFFF80, v11;
	[tilespmem:v13+s11+$0x0] =	vst.idx.add.f32.msk $0xffff, v2  }
0x1c1: {  	v50 =	vand.u32 $0x7F, v11;
	v51 =	vadd.s32 v4, v49;
	v52 =	vld [tilespmem:s15+$0x110]  }
0x1c2: {  	v11 =	vor.u32 v50, v51;
	_ =	sdelay $0x1  }
0x1c3: {  	v53 =	vand.u32 $0xFFFFFF80, v12  }
0x1c4: {  	v12 =	vand.u32 $0x7F, v12;
	v13 =	vadd.s32 v6, v53  }
0x1c5: {  	v54 =	vand.u32 $0xFFFFFF80, v52;
	v12 =	vor.u32 v12, v13  }
0x1c6: {  	[tilespmem:v11+s11+$0x0] =	vst.idx.add.f32.msk $0xffff, v2;
	v55 =	vand.u32 $0x7F, v52;
	v13 =	vadd.s32 v5, v54  }
0x1c7: {  	v56 =	vld [tilespmem:s13+$0x180];
	v11 =	vor.u32 v55, v13;
	_ =	sdelay $0x2  }
0x1c8: {  	[tilespmem:v12+s11+$0x0] =	vst.idx.add.f32.msk $0xffff, v2  }
0x1c9: {  	v12 =	vld [tilespmem:s15+$0x180]  }
0x1ca: {  	v57 =	vand.u32 $0xFFFFFF80, v56;
	[tilespmem:v11+s11+$0x0] =	vst.idx.add.f32.msk $0xffff, v2  }
0x1cb: {  	v58 =	vand.u32 $0x7F, v56;
	v13 =	vadd.s32 v4, v57;
	v59 =	vld [tilespmem:s15+$0x190]  }
0x1cc: {  	v11 =	vor.u32 v58, v13  }
0x1cd: {  	v9 =	vand.u32 $0x7F, v9;
	v10 =	vadd.s32 v3, v10  }
0x1ce: {  	v9 =	vor.u32 v9, v10;
	v60 =	vand.u32 $0xFFFFFF80, v12  }
0x1cf: {  	v12 =	vand.u32 $0x7F, v12;
	v10 =	vadd.s32 v6, v60  }
0x1d0: {  	v61 =	vand.u32 $0xFFFFFF80, v59;
	v10 =	vor.u32 v12, v10  }
0x1d1: {  	[tilespmem:v11+s11+$0x0] =	vst.idx.add.f32.msk $0xffff, v2;
	v62 =	vand.u32 $0x7F, v59;
	v12 =	vadd.s32 v5, v61  }
0x1d2: {  	v63 =	vld [tilespmem:s13+$0x200];
	v11 =	vor.u32 v62, v12  }
0x1d3: {  	[tilespmem:v9+s11+$0x0] =	vst.idx.add.f32.msk $0xffff, v2  }
0x1d4: {  	v9 =	vld [tilespmem:s13+$0x210]  }
0x1d5: {  	[tilespmem:v10+s11+$0x0] =	vst.idx.add.f32.msk $0xffff, v2  }
0x1d6: {  	v10 =	vld [tilespmem:s15+$0x200]  }
0x1d7: {  	v16 =	vand.u32 $0xFFFFFF80, v63;
	[tilespmem:v11+s11+$0x0] =	vst.idx.add.f32.msk $0xffff, v2  }
0x1d8: {  	v17 =	vand.u32 $0x7F, v63;
	v12 =	vadd.s32 v4, v16;
	v18 =	vld [tilespmem:s15+$0x210]  }
0x1d9: {  	v19 =	vand.u32 $0xFFFFFF80, v9;
	v11 =	vor.u32 v17, v12  }
0x1da: {  	v9 =	vand.u32 $0x7F, v9;
	v12 =	vadd.s32 v3, v19  }
0x1db: {  	v9 =	vor.u32 v9, v12;
	v20 =	vand.u32 $0xFFFFFF80, v10  }
0x1dc: {  	v10 =	vand.u32 $0x7F, v10;
	v12 =	vadd.s32 v6, v20  }
0x1dd: {  	v21 =	vand.u32 $0xFFFFFF80, v18;
	v10 =	vor.u32 v10, v12  }
0x1de: {  	[tilespmem:v11+s11+$0x0] =	vst.idx.add.f32.msk $0xffff, v2;
	v22 =	vand.u32 $0x7F, v18;
	v12 =	vadd.s32 v5, v21  }
0x1df: {  	v23 =	vld [tilespmem:s13+$0x280];
	v11 =	vor.u32 v22, v12  }
0x1e0: {  	[tilespmem:v9+s11+$0x0] =	vst.idx.add.f32.msk $0xffff, v2  }
0x1e1: {  	v9 =	vld [tilespmem:s13+$0x290]  }
0x1e2: {  	[tilespmem:v10+s11+$0x0] =	vst.idx.add.f32.msk $0xffff, v2  }
0x1e3: {  	v10 =	vld [tilespmem:s15+$0x280]  }
0x1e4: {  	v24 =	vand.u32 $0xFFFFFF80, v23;
	[tilespmem:v11+s11+$0x0] =	vst.idx.add.f32.msk $0xffff, v2  }
0x1e5: {  	v25 =	vand.u32 $0x7F, v23;
	v12 =	vadd.s32 v4, v24;
	v26 =	vld [tilespmem:s15+$0x290]  }
0x1e6: {  	v27 =	vand.u32 $0xFFFFFF80, v9;
	v11 =	vor.u32 v25, v12  }
0x1e7: {  	v9 =	vand.u32 $0x7F, v9;
	v12 =	vadd.s32 v3, v27  }
0x1e8: {  	v9 =	vor.u32 v9, v12;
	v28 =	vand.u32 $0xFFFFFF80, v10  }
0x1e9: {  	v10 =	vand.u32 $0x7F, v10;
	v12 =	vadd.s32 v6, v28  }
0x1ea: {  	v29 =	vand.u32 $0xFFFFFF80, v26;
	v10 =	vor.u32 v10, v12  }
0x1eb: {  	[tilespmem:v11+s11+$0x0] =	vst.idx.add.f32.msk $0xffff, v2;
	v30 =	vand.u32 $0x7F, v26;
	v12 =	vadd.s32 v5, v29  }
0x1ec: {  	v31 =	vld [tilespmem:s13+$0x300];
	v11 =	vor.u32 v30, v12  }
0x1ed: {  	[tilespmem:v9+s11+$0x0] =	vst.idx.add.f32.msk $0xffff, v2  }
0x1ee: {  	v9 =	vld [tilespmem:s13+$0x310]  }
0x1ef: {  	[tilespmem:v10+s11+$0x0] =	vst.idx.add.f32.msk $0xffff, v2  }
0x1f0: {  	v10 =	vld [tilespmem:s15+$0x300]  }
0x1f1: {  	v32 =	vand.u32 $0xFFFFFF80, v31;
	[tilespmem:v11+s11+$0x0] =	vst.idx.add.f32.msk $0xffff, v2  }
0x1f2: {  	v33 =	vand.u32 $0x7F, v31;
	v12 =	vadd.s32 v4, v32;
	v34 =	vld [tilespmem:s15+$0x310]  }
0x1f3: {  	v35 =	vand.u32 $0xFFFFFF80, v9;
	v11 =	vor.u32 v33, v12  }
0x1f4: {  	v9 =	vand.u32 $0x7F, v9;
	v12 =	vadd.s32 v3, v35  }
0x1f5: {  	v9 =	vor.u32 v9, v12;
	v36 =	vand.u32 $0xFFFFFF80, v10  }
0x1f6: {  	v10 =	vand.u32 $0x7F, v10;
	v12 =	vadd.s32 v6, v36  }
0x1f7: {  	v37 =	vand.u32 $0xFFFFFF80, v34;
	v10 =	vor.u32 v10, v12  }
0x1f8: {  	[tilespmem:v11+s11+$0x0] =	vst.idx.add.f32.msk $0xffff, v2;
	v38 =	vand.u32 $0x7F, v34;
	v12 =	vadd.s32 v5, v37  }
0x1f9: {  	v39 =	vld [tilespmem:s13+$0x380];
	v11 =	vor.u32 v38, v12  }
0x1fa: {  	[tilespmem:v9+s11+$0x0] =	vst.idx.add.f32.msk $0xffff, v2  }
0x1fb: {  	v9 =	vld [tilespmem:s13+$0x390]  }
0x1fc: {  	[tilespmem:v10+s11+$0x0] =	vst.idx.add.f32.msk $0xffff, v2  }
0x1fd: {  	v10 =	vld [tilespmem:s15+$0x380]  }
0x1fe: {  	v40 =	vand.u32 $0xFFFFFF80, v39;
	[tilespmem:v11+s11+$0x0] =	vst.idx.add.f32.msk $0xffff, v2  }
0x1ff: {  	v41 =	vand.u32 $0x7F, v39;
	v12 =	vadd.s32 v4, v40;
	v42 =	vld [tilespmem:s15+$0x390]  }
0x200: {  	v43 =	vand.u32 $0xFFFFFF80, v9;
	v11 =	vor.u32 v41, v12  }
0x201: {  	v9 =	vand.u32 $0x7F, v9;
	v12 =	vadd.s32 v3, v43  }
0x202: {  	v9 =	vor.u32 v9, v12;
	v44 =	vand.u32 $0xFFFFFF80, v10  }
0x203: {  	v10 =	vand.u32 $0x7F, v10;
	v12 =	vadd.s32 v6, v44  }
0x204: {  	v45 =	vand.u32 $0xFFFFFF80, v42;
	v10 =	vor.u32 v10, v12  }
0x205: {  	[tilespmem:v11+s11+$0x0] =	vst.idx.add.f32.msk $0xffff, v2;
	v46 =	vand.u32 $0x7F, v42;
	v12 =	vadd.s32 v5, v45  }
0x206: {  	v47 =	vld [tilespmem:s13+$0x400];
	v11 =	vor.u32 v46, v12  }
0x207: {  	[tilespmem:v9+s11+$0x0] =	vst.idx.add.f32.msk $0xffff, v2  }
0x208: {  	v9 =	vld [tilespmem:s13+$0x410]  }
0x209: {  	[tilespmem:v10+s11+$0x0] =	vst.idx.add.f32.msk $0xffff, v2  }
0x20a: {  	v10 =	vld [tilespmem:s15+$0x400]  }
0x20b: {  	v48 =	vand.u32 $0xFFFFFF80, v47;
	[tilespmem:v11+s11+$0x0] =	vst.idx.add.f32.msk $0xffff, v2  }
0x20c: {  	v49 =	vand.u32 $0x7F, v47;
	v12 =	vadd.s32 v4, v48;
	v50 =	vld [tilespmem:s15+$0x410]  }
0x20d: {  	v51 =	vand.u32 $0xFFFFFF80, v9;
	v11 =	vor.u32 v49, v12  }
0x20e: {  	v9 =	vand.u32 $0x7F, v9;
	v12 =	vadd.s32 v3, v51  }
0x20f: {  	v9 =	vor.u32 v9, v12;
	v52 =	vand.u32 $0xFFFFFF80, v10  }
0x210: {  	v10 =	vand.u32 $0x7F, v10;
	v12 =	vadd.s32 v6, v52  }
0x211: {  	v53 =	vand.u32 $0xFFFFFF80, v50;
	v10 =	vor.u32 v10, v12  }
0x212: {  	[tilespmem:v11+s11+$0x0] =	vst.idx.add.f32.msk $0xffff, v2;
	v54 =	vand.u32 $0x7F, v50;
	v12 =	vadd.s32 v5, v53  }
0x213: {  	v55 =	vld [tilespmem:s13+$0x480];
	v11 =	vor.u32 v54, v12  }
0x214: {  	[tilespmem:v9+s11+$0x0] =	vst.idx.add.f32.msk $0xffff, v2  }
0x215: {  	v9 =	vld [tilespmem:s13+$0x490]  }
0x216: {  	[tilespmem:v10+s11+$0x0] =	vst.idx.add.f32.msk $0xffff, v2  }
0x217: {  	v10 =	vld [tilespmem:s15+$0x480]  }
0x218: {  	[tilespmem:v11+s11+$0x0] =	vst.idx.add.f32.msk $0xffff, v2  }
0x219: {  	v11 =	vld [tilespmem:s15+$0x490];
	_ =	sdelay $0x1  }
0x21a: {  	v56 =	vand.u32 $0xFFFFFF80, v55;
	v13 =	vand.u32 $0x7F, v55;
	v58 =	vand.u32 $0xFFFFFF80, v9  }
0x21b: {  	v57 =	vadd.s32 v4, v56;
	v9 =	vand.u32 $0x7F, v9;
	v3 =	vadd.s32 v3, v58  }
0x21c: {  	v4 =	vor.u32 v13, v57;
	v3 =	vor.u32 v9, v3;
	v59 =	vand.u32 $0xFFFFFF80, v10  }
0x21d: {  	v10 =	vand.u32 $0x7F, v10;
	v60 =	vadd.s32 v6, v59;
	v61 =	vand.u32 $0xFFFFFF80, v11  }
0x21e: {  	v62 =	vand.u32 $0x7F, v11;
	v6 =	vor.u32 v10, v60;
	v63 =	vadd.s32 v5, v61  }
0x21f: {  	[tilespmem:v8+s11+$0x0] =	vst.idx.add.f32.msk $0xffff, v2;
	v5 =	vor.u32 v62, v63  }
0x220: {  	[tilespmem:v7+s11+$0x0] =	vst.idx.add.f32.msk $0xffff, v2  }
0x221: {  	[tilespmem:v4+s11+$0x0] =	vst.idx.add.f32.msk $0xffff, v2  }
0x222: {  	s12 =	sadd.s32 $0x1, s12;
	[tilespmem:v3+s11+$0x0] =	vst.idx.add.f32.msk $0xffff, v2  }
0x223: {  	p0 =	sne.s32 s12, s6;
	[tilespmem:v6+s11+$0x0] =	vst.idx.add.f32.msk $0xffff, v2  }
.Ltmp1:
0x224: {  	[tilespmem:v5+s11+$0x0] =	vst.idx.add.f32.msk $0xffff, v2;
	(pc) =	sbr.rel @p0 .LBB2_1-.Ltmp1, $4  }
0x225: {  	[hbm4b:s5+s2] =	stream.linear.scatter [tilespmem:s11], [sflag:$0x1], $0x4000, $0x38;
	[tilespmem:$0x4C00] =	vst v63  }
0x226: {  	_ =	swait.ge [sflag:s10], $0x4000  }
0x227: {  	[sflag:s10] =	ssyncset.done $0x0  }
0x228: {  	[sflag:s10] =	ssyncadd.s32 $0xFFFFC000  }
0x229: {  	_ =	sfence.sel $0x180000  }
0x22a: {  	[bflag:$0x0] =	sbarrier.arrive $0xFFFF  }
0x22b: {  	p0 =	sne.s32 s1, $0x0;
	_ =	strace $0x90000047  }
0x22c: {  	s0 =	sadd.s32 @!p0 $0x100000, s0;
	[bflag:$0x2] =	sbarrier.arrive $0xFFFF  }
0x22d: {  	[sflag:s0] =	ssyncadd.tile.s32 @!p0 $0x1;
	_ =	shalt  }
.Lfunc_end2:
_tile_overlayer_lowered:
.L_overlay_start_2:
0x22e: {  	(tag) =	ssettag $0x2  }
0x22f: {  	s0 =	rddreg [dreg:$0x0];
	s2 =	stileid.u32  }
0x230: {  	s1 =	rddreg [dreg:$0x1];
	p0 =	sne.s32 s2, $0x0  }
0x231: {  	s3 =	rddreg [dreg:$0x2];
	[bflag:$0x3] =	sbarrier.arrive $0xFFFF;
	s2 =	simm.s32 @!p0 $0x1C01  }
0x232: {  	[timem:s3], [sflag:s2] =	dma.local @!p0 [hbm:s0], s1  }
0x233: {  	s0 =	simm.s32 @!p0 $0x1  }
0x234: {  	_ =	swait.ge @!p0 [sflag:s0], s1  }
0x235: {  	s1 =	ssub.s32 @!p0 $0x0, s1;
	[sflag:s0] =	ssyncset.done @!p0 $0x0  }
0x236: {  	[sflag:s0] =	ssyncadd.s32 @!p0 s1  }
0x237: {  	[bflag:$0x3] =	sbarrier.arrive $0xFFFF  }
0x238: {  	_ =	shalt  }

</sc_bundles>
